<compile_context>
chip_gen: v7x
topology: tpu7x:2x2x1
jax: 0.10.2.dev20260603
libtpu: 0.0.44.dev20260713+nightly
codegen_flags: <defaults>
</compile_context>

<pallas_src>
import functools

import jax
import jax.numpy as jnp
from jax import lax
from jax.experimental import pallas as pl
from jax.experimental.pallas import tpu as pltpu
from jax.experimental.pallas import tpu_sc as plsc

VOCAB = 100000
EMB = 64
B = 1024
L = 20

NC, NS = 2, 16
NW = NC * NS
R = B * L
R_PER_W = R // NW
CHUNK = 128
NCHUNK = R_PER_W // CHUNK
E2 = 2 * EMB


def _gather_body(idx_hbm, table_hbm, e_hbm, idx_v, rows_v, sem):
    wid = lax.axis_index("s") * NC + lax.axis_index("c")

    pltpu.sync_copy(idx_hbm.at[wid], idx_v)
    descs = [
        pltpu.async_copy(
            table_hbm.at[idx_v.at[j]],
            rows_v.at[pl.ds(j * CHUNK, CHUNK)],
            sem,
        )
        for j in range(NCHUNK)
    ]
    for d in descs:
        d.wait()
    pltpu.sync_copy(rows_v, e_hbm.at[pl.ds(wid * R_PER_W, R_PER_W)])


@functools.cache
def _make_gather():
    return pl.kernel(
        _gather_body,
        out_type=jax.ShapeDtypeStruct((R, E2), jnp.float32),
        mesh=plsc.VectorSubcoreMesh(
            core_axis_name="c", subcore_axis_name="s", num_cores=NC, num_subcores=NS
        ),
        scratch_types=[
            pltpu.VMEM((NCHUNK, CHUNK), jnp.int32),
            pltpu.VMEM((R_PER_W, E2), jnp.float32),
            pltpu.SemaphoreType.DMA,
        ],
        compiler_params=pltpu.CompilerParams(use_tc_tiling_on_sc=True),
    )


VB = 2048
GRID = (VOCAB + VB - 1) // VB


def _proj_body(e_ref, par_ref, wt_ref, b_ref, out_ref, x_v):
    @pl.when(pl.program_id(0) == 0)
    def _pool():
        left = (
            lax.broadcasted_iota(jnp.int32, (B, E2), 1) < EMB
        ).astype(jnp.float32)
        acc = jnp.zeros((B, E2), jnp.float32)
        for l in range(L):
            v2 = e_ref[pl.ds(l * B, B), :]
            p = par_ref[:, pl.ds(l, 1)]
            m = left * (1.0 - p) + (1.0 - left) * p
            v = v2 * m
            ssq = jnp.sum(v * v, axis=1, keepdims=True)
            norm = jnp.sqrt(ssq)
            sc = jnp.where(norm > 1.0, 1.0 / (norm + 1e-7), 1.0)
            acc = acc + v * sc
        x_v[...] = (acc[:, :EMB] + acc[:, EMB:]) * jnp.float32(1.0 / L)

    bias_col = jnp.transpose(b_ref[...], (1, 0))
    out_ref[...] = (
        lax.dot_general(
            wt_ref[...],
            x_v[...],
            (((0,), (1,)), ((), ())),
            preferred_element_type=jnp.float32,
        )
        + bias_col
    )


def _proj(e2, par, Wt, brow):
    out_t = pl.pallas_call(
        _proj_body,
        grid=(GRID,),
        in_specs=[
            pl.BlockSpec((R, E2), lambda i: (0, 0)),
            pl.BlockSpec((B, L), lambda i: (0, 0)),
            pl.BlockSpec((EMB, VB), lambda i: (0, i)),
            pl.BlockSpec((1, VB), lambda i: (0, i)),
        ],
        out_specs=pl.BlockSpec((VB, B), lambda i: (i, 0)),
        out_shape=jax.ShapeDtypeStruct((VOCAB, B), jnp.float32),
        scratch_shapes=[pltpu.VMEM((B, EMB), jnp.float32)],
    )(e2, par, Wt, brow)
    return out_t.T


def kernel(inputs_, emb_table, W, b):
    ii = inputs_.astype(jnp.int32)
    idx = (ii >> 1).T.reshape(NW, NCHUNK, CHUNK)
    par = (ii & 1).astype(jnp.float32)
    e2 = _make_gather()(idx, emb_table.reshape(VOCAB // 2, E2))
    return _proj(e2, par, W.T, b.reshape(1, VOCAB))

# --- scband reference (transcript-rebuilt; emitter-appended) ---
"""Pipeline reference for scband-cbow-model-56839597195892 (READ-ONLY COPY).

The authoritative reference and input builder live on the scoring server;
editing this copy changes nothing except your own understanding.
"""

import jax, jax.numpy as jnp
import numpy as np

VOCAB = 100000
EMB = 64
B = 1024
L = 20

def setup_inputs(seed: int = 0) -> dict:
    key = jax.random.key(seed)
    k1, k2, k3, k4 = jax.random.split(key, 4)
    inputs_ = jax.random.randint(k1, (B, L), 0, VOCAB, dtype=jnp.int64) if jax.config.jax_enable_x64 else jax.random.randint(k1, (B, L), 0, VOCAB, dtype=jnp.int32)
    emb_table = jax.random.normal(k2, (VOCAB, EMB), dtype=jnp.float32) * 0.1
    W = jax.random.normal(k3, (VOCAB, EMB), dtype=jnp.float32) * (1.0 / np.sqrt(EMB))
    b = jax.random.normal(k4, (VOCAB,), dtype=jnp.float32) * 0.01
    return {"inputs_": inputs_, "emb_table": emb_table, "W": W, "b": b}

def reference(inputs_, emb_table, W, b):
    # nn.Embedding(max_norm=1): gathered rows are renormalized to norm <= 1
    e = jnp.take(emb_table, inputs_, axis=0)              # [B, L, EMB]
    norms = jnp.linalg.norm(e, axis=-1, keepdims=True)     # [B, L, 1]
    scale = jnp.where(norms > 1.0, 1.0 / (norms + 1e-7), 1.0)
    e = e * scale
    x = jnp.mean(e, axis=1)                                # [B, EMB]
    logits = x @ W.T + b                                   # [B, VOCAB]
    return logits

if __name__ == "__main__":
    import jax
    _d = setup_inputs()
    print(jax.jit(kernel)(*tuple(_d.values())))

</pallas_src>

<mosaic_0001>
#map = affine_map<(d0, d1) -> (0, 0, 0)>
#map1 = affine_map<(d0, d1) -> (0, 0)>
module attributes {stable_mosaic.version = 14 : i64} {
  func.func @_gather_body(%arg0: i32, %arg1: i32, %arg2: memref<32x5x128xi32, #tpu.memory_space<hbm>>, %arg3: memref<50000x128xf32, #tpu.memory_space<hbm>>, %arg4: memref<20480x128xf32, #tpu.memory_space<hbm>>, %arg5: memref<5x128xi32, #tpu.memory_space<vmem>>, %arg6: memref<640x128xf32, #tpu.memory_space<vmem>>, %arg7: memref<!tpu.dma_semaphore, #tpu.memory_space<semaphore_mem>>) attributes {dimension_semantics = [#tpu.dimension_semantics<core_parallel>, #tpu.dimension_semantics<subcore_parallel>], iteration_bounds = array<i64: 2, 16>, scalar_prefetch = 0 : i64, scratch_operands = 3 : i64, tpu.core_type = #tpu.core_type<sc_vector_subcore>, window_params = [{transform_indices = #map}, {transform_indices = #map1}, {transform_indices = #map1}]} {
    %mul3A = arith.constant 2 : i32
    %mul3A_0 = arith.muli %arg1, %mul3A : i32
    %add3A = arith.addi %mul3A_0, %arg0 : i32
    "tpu.region"() ({
      %run_scoped3A = tpu.sem_alloc : memref<!tpu.dma_semaphore, #tpu.memory_space<semaphore_mem>>
      %dma_start3A_101 = arith.constant 0 : i32
      %dma_start3A_102 = arith.constant 0 : i32
      %dma_start3A_103 = tpu.memref_slice %arg2[%add3A, %dma_start3A_101, %dma_start3A_102] : memref<32x5x128xi32, #tpu.memory_space<hbm>> -> memref<1x5x128xi32, #tpu.memory_space<hbm>>
      %dma_start3A_104 = tpu.memref_squeeze %dma_start3A_103 : memref<1x5x128xi32, #tpu.memory_space<hbm>> -> memref<5x128xi32, #tpu.memory_space<hbm>>
      %dma_start3A_105 = arith.constant 0 : i32
      %dma_start3A_106 = arith.constant 0 : i32
      %dma_start3A_107 = tpu.memref_slice %arg2[%add3A, %dma_start3A_105, %dma_start3A_106] : memref<32x5x128xi32, #tpu.memory_space<hbm>> -> memref<1x5x128xi32, #tpu.memory_space<hbm>>
      %dma_start3A_108 = tpu.memref_squeeze %dma_start3A_107 : memref<1x5x128xi32, #tpu.memory_space<hbm>> -> memref<5x128xi32, #tpu.memory_space<hbm>>
      tpu.enqueue_dma source(%dma_start3A_108 : memref<5x128xi32, #tpu.memory_space<hbm>>) target(%arg5 : memref<5x128xi32, #tpu.memory_space<vmem>>) target_semaphore(%run_scoped3A : memref<!tpu.dma_semaphore, #tpu.memory_space<semaphore_mem>>)
      %dma_wait3A_109 = arith.constant 0 : i32
      %dma_wait3A_110 = arith.constant 0 : i32
      %dma_wait3A_111 = tpu.memref_slice %arg2[%add3A, %dma_wait3A_109, %dma_wait3A_110] : memref<32x5x128xi32, #tpu.memory_space<hbm>> -> memref<1x5x128xi32, #tpu.memory_space<hbm>>
      %dma_wait3A_112 = tpu.memref_squeeze %dma_wait3A_111 : memref<1x5x128xi32, #tpu.memory_space<hbm>> -> memref<5x128xi32, #tpu.memory_space<hbm>>
      %dma_wait3A_113 = arith.constant 0 : i32
      %dma_wait3A_114 = arith.constant 0 : i32
      %dma_wait3A_115 = tpu.memref_slice %arg2[%add3A, %dma_wait3A_113, %dma_wait3A_114] : memref<32x5x128xi32, #tpu.memory_space<hbm>> -> memref<1x5x128xi32, #tpu.memory_space<hbm>>
      %dma_wait3A_116 = tpu.memref_squeeze %dma_wait3A_115 : memref<1x5x128xi32, #tpu.memory_space<hbm>> -> memref<5x128xi32, #tpu.memory_space<hbm>>
      tpu.wait_dma2 semaphore(%run_scoped3A : memref<!tpu.dma_semaphore, #tpu.memory_space<semaphore_mem>>) src(%dma_wait3A_116 : memref<5x128xi32, #tpu.memory_space<hbm>>) dst(%arg5 : memref<5x128xi32, #tpu.memory_space<vmem>>)
      tpu.yield
    }) : () -> ()
    %dma_start3A = arith.constant 0 : i32
    %dma_start3A_1 = arith.constant 0 : i32
    %dma_start3A_2 = arith.constant 0 : i32
    %dma_start3A_3 = tpu.memref_slice %arg6[%dma_start3A_1, %dma_start3A_2] : memref<640x128xf32, #tpu.memory_space<vmem>> -> memref<128x128xf32, #tpu.memory_space<vmem>>
    %dma_start3A_4 = arith.constant 0 : i32
    %dma_start3A_5 = tpu.memref_slice %arg5[%dma_start3A, %dma_start3A_4] : memref<5x128xi32, #tpu.memory_space<vmem>> -> memref<1x128xi32, #tpu.memory_space<vmem>>
    %dma_start3A_6 = tpu.memref_squeeze %dma_start3A_5 : memref<1x128xi32, #tpu.memory_space<vmem>> -> memref<128xi32, #tpu.memory_space<vmem>>
    %dma_start3A_7 = arith.constant 0 : i32
    %dma_start3A_8 = arith.constant 0 : i32
    %dma_start3A_9 = tpu.memref_slice %arg3[%dma_start3A_7, %dma_start3A_8] : memref<50000x128xf32, #tpu.memory_space<hbm>> -> memref<50000x128xf32, #tpu.memory_space<hbm>>
    tpu.enqueue_indirect_dma source(%dma_start3A_9 : memref<50000x128xf32, #tpu.memory_space<hbm>>) target(%dma_start3A_3 : memref<128x128xf32, #tpu.memory_space<vmem>>) offsets(%dma_start3A_6 : memref<128xi32, #tpu.memory_space<vmem>>) semaphore(%arg7 : memref<!tpu.dma_semaphore, #tpu.memory_space<semaphore_mem>>)
    %dma_start3A_10 = arith.constant 1 : i32
    %dma_start3A_11 = arith.constant 128 : i32
    %dma_start3A_12 = arith.constant 0 : i32
    %dma_start3A_13 = tpu.memref_slice %arg6[%dma_start3A_11, %dma_start3A_12] : memref<640x128xf32, #tpu.memory_space<vmem>> -> memref<128x128xf32, #tpu.memory_space<vmem>>
    %dma_start3A_14 = arith.constant 0 : i32
    %dma_start3A_15 = tpu.memref_slice %arg5[%dma_start3A_10, %dma_start3A_14] : memref<5x128xi32, #tpu.memory_space<vmem>> -> memref<1x128xi32, #tpu.memory_space<vmem>>
    %dma_start3A_16 = tpu.memref_squeeze %dma_start3A_15 : memref<1x128xi32, #tpu.memory_space<vmem>> -> memref<128xi32, #tpu.memory_space<vmem>>
    %dma_start3A_17 = arith.constant 0 : i32
    %dma_start3A_18 = arith.constant 0 : i32
    %dma_start3A_19 = tpu.memref_slice %arg3[%dma_start3A_17, %dma_start3A_18] : memref<50000x128xf32, #tpu.memory_space<hbm>> -> memref<50000x128xf32, #tpu.memory_space<hbm>>
    tpu.enqueue_indirect_dma source(%dma_start3A_19 : memref<50000x128xf32, #tpu.memory_space<hbm>>) target(%dma_start3A_13 : memref<128x128xf32, #tpu.memory_space<vmem>>) offsets(%dma_start3A_16 : memref<128xi32, #tpu.memory_space<vmem>>) semaphore(%arg7 : memref<!tpu.dma_semaphore, #tpu.memory_space<semaphore_mem>>)
    %dma_start3A_20 = arith.constant 2 : i32
    %dma_start3A_21 = arith.constant 256 : i32
    %dma_start3A_22 = arith.constant 0 : i32
    %dma_start3A_23 = tpu.memref_slice %arg6[%dma_start3A_21, %dma_start3A_22] : memref<640x128xf32, #tpu.memory_space<vmem>> -> memref<128x128xf32, #tpu.memory_space<vmem>>
    %dma_start3A_24 = arith.constant 0 : i32
    %dma_start3A_25 = tpu.memref_slice %arg5[%dma_start3A_20, %dma_start3A_24] : memref<5x128xi32, #tpu.memory_space<vmem>> -> memref<1x128xi32, #tpu.memory_space<vmem>>
    %dma_start3A_26 = tpu.memref_squeeze %dma_start3A_25 : memref<1x128xi32, #tpu.memory_space<vmem>> -> memref<128xi32, #tpu.memory_space<vmem>>
    %dma_start3A_27 = arith.constant 0 : i32
    %dma_start3A_28 = arith.constant 0 : i32
    %dma_start3A_29 = tpu.memref_slice %arg3[%dma_start3A_27, %dma_start3A_28] : memref<50000x128xf32, #tpu.memory_space<hbm>> -> memref<50000x128xf32, #tpu.memory_space<hbm>>
    tpu.enqueue_indirect_dma source(%dma_start3A_29 : memref<50000x128xf32, #tpu.memory_space<hbm>>) target(%dma_start3A_23 : memref<128x128xf32, #tpu.memory_space<vmem>>) offsets(%dma_start3A_26 : memref<128xi32, #tpu.memory_space<vmem>>) semaphore(%arg7 : memref<!tpu.dma_semaphore, #tpu.memory_space<semaphore_mem>>)
    %dma_start3A_30 = arith.constant 3 : i32
    %dma_start3A_31 = arith.constant 384 : i32
    %dma_start3A_32 = arith.constant 0 : i32
    %dma_start3A_33 = tpu.memref_slice %arg6[%dma_start3A_31, %dma_start3A_32] : memref<640x128xf32, #tpu.memory_space<vmem>> -> memref<128x128xf32, #tpu.memory_space<vmem>>
    %dma_start3A_34 = arith.constant 0 : i32
    %dma_start3A_35 = tpu.memref_slice %arg5[%dma_start3A_30, %dma_start3A_34] : memref<5x128xi32, #tpu.memory_space<vmem>> -> memref<1x128xi32, #tpu.memory_space<vmem>>
    %dma_start3A_36 = tpu.memref_squeeze %dma_start3A_35 : memref<1x128xi32, #tpu.memory_space<vmem>> -> memref<128xi32, #tpu.memory_space<vmem>>
    %dma_start3A_37 = arith.constant 0 : i32
    %dma_start3A_38 = arith.constant 0 : i32
    %dma_start3A_39 = tpu.memref_slice %arg3[%dma_start3A_37, %dma_start3A_38] : memref<50000x128xf32, #tpu.memory_space<hbm>> -> memref<50000x128xf32, #tpu.memory_space<hbm>>
    tpu.enqueue_indirect_dma source(%dma_start3A_39 : memref<50000x128xf32, #tpu.memory_space<hbm>>) target(%dma_start3A_33 : memref<128x128xf32, #tpu.memory_space<vmem>>) offsets(%dma_start3A_36 : memref<128xi32, #tpu.memory_space<vmem>>) semaphore(%arg7 : memref<!tpu.dma_semaphore, #tpu.memory_space<semaphore_mem>>)
    %dma_start3A_40 = arith.constant 4 : i32
    %dma_start3A_41 = arith.constant 512 : i32
    %dma_start3A_42 = arith.constant 0 : i32
    %dma_start3A_43 = tpu.memref_slice %arg6[%dma_start3A_41, %dma_start3A_42] : memref<640x128xf32, #tpu.memory_space<vmem>> -> memref<128x128xf32, #tpu.memory_space<vmem>>
    %dma_start3A_44 = arith.constant 0 : i32
    %dma_start3A_45 = tpu.memref_slice %arg5[%dma_start3A_40, %dma_start3A_44] : memref<5x128xi32, #tpu.memory_space<vmem>> -> memref<1x128xi32, #tpu.memory_space<vmem>>
    %dma_start3A_46 = tpu.memref_squeeze %dma_start3A_45 : memref<1x128xi32, #tpu.memory_space<vmem>> -> memref<128xi32, #tpu.memory_space<vmem>>
    %dma_start3A_47 = arith.constant 0 : i32
    %dma_start3A_48 = arith.constant 0 : i32
    %dma_start3A_49 = tpu.memref_slice %arg3[%dma_start3A_47, %dma_start3A_48] : memref<50000x128xf32, #tpu.memory_space<hbm>> -> memref<50000x128xf32, #tpu.memory_space<hbm>>
    tpu.enqueue_indirect_dma source(%dma_start3A_49 : memref<50000x128xf32, #tpu.memory_space<hbm>>) target(%dma_start3A_43 : memref<128x128xf32, #tpu.memory_space<vmem>>) offsets(%dma_start3A_46 : memref<128xi32, #tpu.memory_space<vmem>>) semaphore(%arg7 : memref<!tpu.dma_semaphore, #tpu.memory_space<semaphore_mem>>)
    %dma_wait3A = arith.constant 0 : i32
    %dma_wait3A_50 = arith.constant 0 : i32
    %dma_wait3A_51 = arith.constant 0 : i32
    %dma_wait3A_52 = tpu.memref_slice %arg6[%dma_wait3A_50, %dma_wait3A_51] : memref<640x128xf32, #tpu.memory_space<vmem>> -> memref<128x128xf32, #tpu.memory_space<vmem>>
    %dma_wait3A_53 = arith.constant 0 : i32
    %dma_wait3A_54 = tpu.memref_slice %arg5[%dma_wait3A, %dma_wait3A_53] : memref<5x128xi32, #tpu.memory_space<vmem>> -> memref<1x128xi32, #tpu.memory_space<vmem>>
    %dma_wait3A_55 = tpu.memref_squeeze %dma_wait3A_54 : memref<1x128xi32, #tpu.memory_space<vmem>> -> memref<128xi32, #tpu.memory_space<vmem>>
    %dma_wait3A_56 = arith.constant 0 : i32
    %dma_wait3A_57 = arith.constant 0 : i32
    %dma_wait3A_58 = tpu.memref_slice %arg3[%dma_wait3A_56, %dma_wait3A_57] : memref<50000x128xf32, #tpu.memory_space<hbm>> -> memref<50000x128xf32, #tpu.memory_space<hbm>>
    tpu.wait_indirect_dma semaphore(%arg7 : memref<!tpu.dma_semaphore, #tpu.memory_space<semaphore_mem>>) src(%dma_wait3A_58 : memref<50000x128xf32, #tpu.memory_space<hbm>>) dst(%dma_wait3A_52 : memref<128x128xf32, #tpu.memory_space<vmem>>)
    %dma_wait3A_59 = arith.constant 1 : i32
    %dma_wait3A_60 = arith.constant 128 : i32
    %dma_wait3A_61 = arith.constant 0 : i32
    %dma_wait3A_62 = tpu.memref_slice %arg6[%dma_wait3A_60, %dma_wait3A_61] : memref<640x128xf32, #tpu.memory_space<vmem>> -> memref<128x128xf32, #tpu.memory_space<vmem>>
    %dma_wait3A_63 = arith.constant 0 : i32
    %dma_wait3A_64 = tpu.memref_slice %arg5[%dma_wait3A_59, %dma_wait3A_63] : memref<5x128xi32, #tpu.memory_space<vmem>> -> memref<1x128xi32, #tpu.memory_space<vmem>>
    %dma_wait3A_65 = tpu.memref_squeeze %dma_wait3A_64 : memref<1x128xi32, #tpu.memory_space<vmem>> -> memref<128xi32, #tpu.memory_space<vmem>>
    %dma_wait3A_66 = arith.constant 0 : i32
    %dma_wait3A_67 = arith.constant 0 : i32
    %dma_wait3A_68 = tpu.memref_slice %arg3[%dma_wait3A_66, %dma_wait3A_67] : memref<50000x128xf32, #tpu.memory_space<hbm>> -> memref<50000x128xf32, #tpu.memory_space<hbm>>
    tpu.wait_indirect_dma semaphore(%arg7 : memref<!tpu.dma_semaphore, #tpu.memory_space<semaphore_mem>>) src(%dma_wait3A_68 : memref<50000x128xf32, #tpu.memory_space<hbm>>) dst(%dma_wait3A_62 : memref<128x128xf32, #tpu.memory_space<vmem>>)
    %dma_wait3A_69 = arith.constant 2 : i32
    %dma_wait3A_70 = arith.constant 256 : i32
    %dma_wait3A_71 = arith.constant 0 : i32
    %dma_wait3A_72 = tpu.memref_slice %arg6[%dma_wait3A_70, %dma_wait3A_71] : memref<640x128xf32, #tpu.memory_space<vmem>> -> memref<128x128xf32, #tpu.memory_space<vmem>>
    %dma_wait3A_73 = arith.constant 0 : i32
    %dma_wait3A_74 = tpu.memref_slice %arg5[%dma_wait3A_69, %dma_wait3A_73] : memref<5x128xi32, #tpu.memory_space<vmem>> -> memref<1x128xi32, #tpu.memory_space<vmem>>
    %dma_wait3A_75 = tpu.memref_squeeze %dma_wait3A_74 : memref<1x128xi32, #tpu.memory_space<vmem>> -> memref<128xi32, #tpu.memory_space<vmem>>
    %dma_wait3A_76 = arith.constant 0 : i32
    %dma_wait3A_77 = arith.constant 0 : i32
    %dma_wait3A_78 = tpu.memref_slice %arg3[%dma_wait3A_76, %dma_wait3A_77] : memref<50000x128xf32, #tpu.memory_space<hbm>> -> memref<50000x128xf32, #tpu.memory_space<hbm>>
    tpu.wait_indirect_dma semaphore(%arg7 : memref<!tpu.dma_semaphore, #tpu.memory_space<semaphore_mem>>) src(%dma_wait3A_78 : memref<50000x128xf32, #tpu.memory_space<hbm>>) dst(%dma_wait3A_72 : memref<128x128xf32, #tpu.memory_space<vmem>>)
    %dma_wait3A_79 = arith.constant 3 : i32
    %dma_wait3A_80 = arith.constant 384 : i32
    %dma_wait3A_81 = arith.constant 0 : i32
    %dma_wait3A_82 = tpu.memref_slice %arg6[%dma_wait3A_80, %dma_wait3A_81] : memref<640x128xf32, #tpu.memory_space<vmem>> -> memref<128x128xf32, #tpu.memory_space<vmem>>
    %dma_wait3A_83 = arith.constant 0 : i32
    %dma_wait3A_84 = tpu.memref_slice %arg5[%dma_wait3A_79, %dma_wait3A_83] : memref<5x128xi32, #tpu.memory_space<vmem>> -> memref<1x128xi32, #tpu.memory_space<vmem>>
    %dma_wait3A_85 = tpu.memref_squeeze %dma_wait3A_84 : memref<1x128xi32, #tpu.memory_space<vmem>> -> memref<128xi32, #tpu.memory_space<vmem>>
    %dma_wait3A_86 = arith.constant 0 : i32
    %dma_wait3A_87 = arith.constant 0 : i32
    %dma_wait3A_88 = tpu.memref_slice %arg3[%dma_wait3A_86, %dma_wait3A_87] : memref<50000x128xf32, #tpu.memory_space<hbm>> -> memref<50000x128xf32, #tpu.memory_space<hbm>>
    tpu.wait_indirect_dma semaphore(%arg7 : memref<!tpu.dma_semaphore, #tpu.memory_space<semaphore_mem>>) src(%dma_wait3A_88 : memref<50000x128xf32, #tpu.memory_space<hbm>>) dst(%dma_wait3A_82 : memref<128x128xf32, #tpu.memory_space<vmem>>)
    %dma_wait3A_89 = arith.constant 4 : i32
    %dma_wait3A_90 = arith.constant 512 : i32
    %dma_wait3A_91 = arith.constant 0 : i32
    %dma_wait3A_92 = tpu.memref_slice %arg6[%dma_wait3A_90, %dma_wait3A_91] : memref<640x128xf32, #tpu.memory_space<vmem>> -> memref<128x128xf32, #tpu.memory_space<vmem>>
    %dma_wait3A_93 = arith.constant 0 : i32
    %dma_wait3A_94 = tpu.memref_slice %arg5[%dma_wait3A_89, %dma_wait3A_93] : memref<5x128xi32, #tpu.memory_space<vmem>> -> memref<1x128xi32, #tpu.memory_space<vmem>>
    %dma_wait3A_95 = tpu.memref_squeeze %dma_wait3A_94 : memref<1x128xi32, #tpu.memory_space<vmem>> -> memref<128xi32, #tpu.memory_space<vmem>>
    %dma_wait3A_96 = arith.constant 0 : i32
    %dma_wait3A_97 = arith.constant 0 : i32
    %dma_wait3A_98 = tpu.memref_slice %arg3[%dma_wait3A_96, %dma_wait3A_97] : memref<50000x128xf32, #tpu.memory_space<hbm>> -> memref<50000x128xf32, #tpu.memory_space<hbm>>
    tpu.wait_indirect_dma semaphore(%arg7 : memref<!tpu.dma_semaphore, #tpu.memory_space<semaphore_mem>>) src(%dma_wait3A_98 : memref<50000x128xf32, #tpu.memory_space<hbm>>) dst(%dma_wait3A_92 : memref<128x128xf32, #tpu.memory_space<vmem>>)
    %mul3A_99 = arith.constant 640 : i32
    %mul3A_100 = arith.muli %add3A, %mul3A_99 : i32
    "tpu.region"() ({
      %run_scoped3A = tpu.sem_alloc : memref<!tpu.dma_semaphore, #tpu.memory_space<semaphore_mem>>
      %dma_start3A_101 = arith.constant 0 : i32
      %dma_start3A_102 = tpu.memref_slice %arg4[%mul3A_100, %dma_start3A_101] : memref<20480x128xf32, #tpu.memory_space<hbm>> -> memref<640x128xf32, #tpu.memory_space<hbm>>
      %dma_start3A_103 = arith.constant 0 : i32
      %dma_start3A_104 = tpu.memref_slice %arg4[%mul3A_100, %dma_start3A_103] : memref<20480x128xf32, #tpu.memory_space<hbm>> -> memref<640x128xf32, #tpu.memory_space<hbm>>
      tpu.enqueue_dma source(%arg6 : memref<640x128xf32, #tpu.memory_space<vmem>>) target(%dma_start3A_104 : memref<640x128xf32, #tpu.memory_space<hbm>>) target_semaphore(%run_scoped3A : memref<!tpu.dma_semaphore, #tpu.memory_space<semaphore_mem>>)
      %dma_wait3A_105 = arith.constant 0 : i32
      %dma_wait3A_106 = tpu.memref_slice %arg4[%mul3A_100, %dma_wait3A_105] : memref<20480x128xf32, #tpu.memory_space<hbm>> -> memref<640x128xf32, #tpu.memory_space<hbm>>
      %dma_wait3A_107 = arith.constant 0 : i32
      %dma_wait3A_108 = tpu.memref_slice %arg4[%mul3A_100, %dma_wait3A_107] : memref<20480x128xf32, #tpu.memory_space<hbm>> -> memref<640x128xf32, #tpu.memory_space<hbm>>
      tpu.wait_dma2 semaphore(%run_scoped3A : memref<!tpu.dma_semaphore, #tpu.memory_space<semaphore_mem>>) src(%arg6 : memref<640x128xf32, #tpu.memory_space<vmem>>) dst(%dma_wait3A_108 : memref<640x128xf32, #tpu.memory_space<hbm>>)
      tpu.yield
    }) : () -> ()
    return
  }
}

module attributes {stable_mosaic.version = 14 : i64} {
  func.func @_proj_body(%arg0: i32, %arg1: memref<20480x128xf32, #tpu.memory_space<vmem>>, %arg2: memref<1024x20xf32, #tpu.memory_space<vmem>>, %arg3: memref<64x2048xf32, #tpu.memory_space<vmem>>, %arg4: memref<1x2048xf32, #tpu.memory_space<vmem>>, %arg5: memref<2048x1024xf32, #tpu.memory_space<vmem>>, %arg6: memref<1024x64xf32, #tpu.memory_space<vmem>>) attributes {dimension_semantics = [#tpu.dimension_semantics<arbitrary>], iteration_bounds = array<i64: 49>, scalar_prefetch = 0 : i64, scratch_operands = 1 : i64, tpu.core_type = #tpu.core_type<tc>, window_params = [{pipeline_mode = #tpu.pipeline_mode<synchronous>, transform_indices = @transform_0, window_bounds = array<i64: 20480, 128>}, {pipeline_mode = #tpu.pipeline_mode<synchronous>, transform_indices = @transform_1, window_bounds = array<i64: 1024, 20>}, {transform_indices = @transform_2, window_bounds = array<i64: 64, 2048>}, {transform_indices = @transform_3, window_bounds = array<i64: 1, 2048>}, {transform_indices = @transform_4, window_bounds = array<i64: 2048, 1024>}]} {
    %eq3A = arith.constant 0 : i32
    %eq3A_0 = arith.cmpi eq, %arg0, %eq3A : i32
    %convert_element_type3A = arith.extui %eq3A_0 : i1 to i32
    %cond3A = arith.constant 0 : i32
    %cond3A_1 = arith.cmpi ne, %convert_element_type3A, %cond3A : i32
    scf.if %cond3A_1 {
      %iota3A = tpu.iota {dimensions = array<i32: 1>} : vector<1024x128xi32>
      %lt3A = arith.constant 64 : i32
      %lt3A_14 = vector.broadcast %lt3A : i32 to vector<1024x128xi32>
      %lt3A_15 = arith.cmpi slt, %iota3A, %lt3A_14 : vector<1024x128xi32>
      %convert_element_type3A_16 = arith.extui %lt3A_15 : vector<1024x128xi1> to vector<1024x128xi32>
      %convert_element_type3A_17 = arith.sitofp %convert_element_type3A_16 : vector<1024x128xi32> to vector<1024x128xf32>
      %broadcast_in_dim3A = arith.constant 0.000000e+00 : f32
      %broadcast_in_dim3A_18 = vector.broadcast %broadcast_in_dim3A : f32 to vector<1024x128xf32>
      %get3A_19 = arith.constant 0 : index
      %get3A_20 = arith.constant 0 : index
      %get3A_21 = vector.load %arg1[%get3A_19, %get3A_20] : memref<20480x128xf32, #tpu.memory_space<vmem>>, vector<1024x128xf32>
      %get3A_22 = arith.constant 0 : index
      %get3A_23 = arith.constant 0 : index
      %get3A_24 = vector.load %arg2[%get3A_22, %get3A_23] : memref<1024x20xf32, #tpu.memory_space<vmem>>, vector<1024x1xf32>
      %sub3A = arith.constant 1.000000e+00 : f32
      %sub3A_25 = vector.broadcast %sub3A : f32 to vector<1024x1xf32>
      %sub3A_26 = arith.subf %sub3A_25, %get3A_24 : vector<1024x1xf32>
      %mul3A = vector.broadcast %sub3A_26 : vector<1024x1xf32> to vector<1024x128xf32>
      %mul3A_27 = arith.mulf %convert_element_type3A_17, %mul3A : vector<1024x128xf32>
      %sub3A_28 = arith.constant 1.000000e+00 : f32
      %sub3A_29 = vector.broadcast %sub3A_28 : f32 to vector<1024x128xf32>
      %sub3A_30 = arith.subf %sub3A_29, %convert_element_type3A_17 : vector<1024x128xf32>
      %mul3A_31 = vector.broadcast %get3A_24 : vector<1024x1xf32> to vector<1024x128xf32>
      %mul3A_32 = arith.mulf %sub3A_30, %mul3A_31 : vector<1024x128xf32>
      %add3A_33 = arith.addf %mul3A_27, %mul3A_32 : vector<1024x128xf32>
      %mul3A_34 = arith.mulf %get3A_21, %add3A_33 : vector<1024x128xf32>
      %mul3A_35 = arith.mulf %mul3A_34, %mul3A_34 : vector<1024x128xf32>
      %reduce_sum3A = arith.constant dense<0.000000e+00> : vector<1024xf32>
      %reduce_sum3A_36 = vector.multi_reduction <add>, %mul3A_35, %reduce_sum3A [1] : vector<1024x128xf32> to vector<1024xf32>
      %broadcast_in_dim3A_37 = vector.shape_cast %reduce_sum3A_36 : vector<1024xf32> to vector<1024x1xf32>
      %sqrt3A = math.sqrt %broadcast_in_dim3A_37 : vector<1024x1xf32>
      %gt3A = arith.constant 1.000000e+00 : f32
      %gt3A_38 = vector.broadcast %gt3A : f32 to vector<1024x1xf32>
      %gt3A_39 = arith.cmpf ogt, %sqrt3A, %gt3A_38 : vector<1024x1xf32>
      %add3A_40 = arith.constant 1.000000e-07 : f32
      %add3A_41 = vector.broadcast %add3A_40 : f32 to vector<1024x1xf32>
      %add3A_42 = arith.addf %sqrt3A, %add3A_41 : vector<1024x1xf32>
      %div3A = arith.constant 1.000000e+00 : f32
      %div3A_43 = vector.broadcast %div3A : f32 to vector<1024x1xf32>
      %div3A_44 = arith.divf %div3A_43, %add3A_42 : vector<1024x1xf32>
      %jit3A = arith.constant 1.000000e+00 : f32
      %broadcast_in_dim3A_45 = vector.broadcast %jit3A : f32 to vector<1024x1xf32>
      %select_n3A = arith.select %gt3A_39, %div3A_44, %broadcast_in_dim3A_45 : vector<1024x1xi1>, vector<1024x1xf32>
      %mul3A_46 = vector.broadcast %select_n3A : vector<1024x1xf32> to vector<1024x128xf32>
      %mul3A_47 = arith.mulf %mul3A_34, %mul3A_46 : vector<1024x128xf32>
      %add3A_48 = arith.addf %broadcast_in_dim3A_18, %mul3A_47 : vector<1024x128xf32>
      %get3A_49 = arith.constant 1024 : index
      %get3A_50 = arith.constant 0 : index
      %get3A_51 = vector.load %arg1[%get3A_49, %get3A_50] : memref<20480x128xf32, #tpu.memory_space<vmem>>, vector<1024x128xf32>
      %get3A_52 = arith.constant 0 : index
      %get3A_53 = arith.constant 1 : index
      %get3A_54 = vector.load %arg2[%get3A_52, %get3A_53] : memref<1024x20xf32, #tpu.memory_space<vmem>>, vector<1024x1xf32>
      %sub3A_55 = arith.constant 1.000000e+00 : f32
      %sub3A_56 = vector.broadcast %sub3A_55 : f32 to vector<1024x1xf32>
      %sub3A_57 = arith.subf %sub3A_56, %get3A_54 : vector<1024x1xf32>
      %mul3A_58 = vector.broadcast %sub3A_57 : vector<1024x1xf32> to vector<1024x128xf32>
      %mul3A_59 = arith.mulf %convert_element_type3A_17, %mul3A_58 : vector<1024x128xf32>
      %sub3A_60 = arith.constant 1.000000e+00 : f32
      %sub3A_61 = vector.broadcast %sub3A_60 : f32 to vector<1024x128xf32>
      %sub3A_62 = arith.subf %sub3A_61, %convert_element_type3A_17 : vector<1024x128xf32>
      %mul3A_63 = vector.broadcast %get3A_54 : vector<1024x1xf32> to vector<1024x128xf32>
      %mul3A_64 = arith.mulf %sub3A_62, %mul3A_63 : vector<1024x128xf32>
      %add3A_65 = arith.addf %mul3A_59, %mul3A_64 : vector<1024x128xf32>
      %mul3A_66 = arith.mulf %get3A_51, %add3A_65 : vector<1024x128xf32>
      %mul3A_67 = arith.mulf %mul3A_66, %mul3A_66 : vector<1024x128xf32>
      %reduce_sum3A_68 = arith.constant dense<0.000000e+00> : vector<1024xf32>
      %reduce_sum3A_69 = vector.multi_reduction <add>, %mul3A_67, %reduce_sum3A_68 [1] : vector<1024x128xf32> to vector<1024xf32>
      %broadcast_in_dim3A_70 = vector.shape_cast %reduce_sum3A_69 : vector<1024xf32> to vector<1024x1xf32>
      %sqrt3A_71 = math.sqrt %broadcast_in_dim3A_70 : vector<1024x1xf32>
      %gt3A_72 = arith.constant 1.000000e+00 : f32
      %gt3A_73 = vector.broadcast %gt3A_72 : f32 to vector<1024x1xf32>
      %gt3A_74 = arith.cmpf ogt, %sqrt3A_71, %gt3A_73 : vector<1024x1xf32>
      %add3A_75 = arith.constant 1.000000e-07 : f32
      %add3A_76 = vector.broadcast %add3A_75 : f32 to vector<1024x1xf32>
      %add3A_77 = arith.addf %sqrt3A_71, %add3A_76 : vector<1024x1xf32>
      %div3A_78 = arith.constant 1.000000e+00 : f32
      %div3A_79 = vector.broadcast %div3A_78 : f32 to vector<1024x1xf32>
      %div3A_80 = arith.divf %div3A_79, %add3A_77 : vector<1024x1xf32>
      %jit3A_81 = arith.constant 1.000000e+00 : f32
      %broadcast_in_dim3A_82 = vector.broadcast %jit3A_81 : f32 to vector<1024x1xf32>
      %select_n3A_83 = arith.select %gt3A_74, %div3A_80, %broadcast_in_dim3A_82 : vector<1024x1xi1>, vector<1024x1xf32>
      %mul3A_84 = vector.broadcast %select_n3A_83 : vector<1024x1xf32> to vector<1024x128xf32>
      %mul3A_85 = arith.mulf %mul3A_66, %mul3A_84 : vector<1024x128xf32>
      %add3A_86 = arith.addf %add3A_48, %mul3A_85 : vector<1024x128xf32>
      %get3A_87 = arith.constant 2048 : index
      %get3A_88 = arith.constant 0 : index
      %get3A_89 = vector.load %arg1[%get3A_87, %get3A_88] : memref<20480x128xf32, #tpu.memory_space<vmem>>, vector<1024x128xf32>
      %get3A_90 = arith.constant 0 : index
      %get3A_91 = arith.constant 2 : index
      %get3A_92 = vector.load %arg2[%get3A_90, %get3A_91] : memref<1024x20xf32, #tpu.memory_space<vmem>>, vector<1024x1xf32>
      %sub3A_93 = arith.constant 1.000000e+00 : f32
      %sub3A_94 = vector.broadcast %sub3A_93 : f32 to vector<1024x1xf32>
      %sub3A_95 = arith.subf %sub3A_94, %get3A_92 : vector<1024x1xf32>
      %mul3A_96 = vector.broadcast %sub3A_95 : vector<1024x1xf32> to vector<1024x128xf32>
      %mul3A_97 = arith.mulf %convert_element_type3A_17, %mul3A_96 : vector<1024x128xf32>
      %sub3A_98 = arith.constant 1.000000e+00 : f32
      %sub3A_99 = vector.broadcast %sub3A_98 : f32 to vector<1024x128xf32>
      %sub3A_100 = arith.subf %sub3A_99, %convert_element_type3A_17 : vector<1024x128xf32>
      %mul3A_101 = vector.broadcast %get3A_92 : vector<1024x1xf32> to vector<1024x128xf32>
      %mul3A_102 = arith.mulf %sub3A_100, %mul3A_101 : vector<1024x128xf32>
      %add3A_103 = arith.addf %mul3A_97, %mul3A_102 : vector<1024x128xf32>
      %mul3A_104 = arith.mulf %get3A_89, %add3A_103 : vector<1024x128xf32>
      %mul3A_105 = arith.mulf %mul3A_104, %mul3A_104 : vector<1024x128xf32>
      %reduce_sum3A_106 = arith.constant dense<0.000000e+00> : vector<1024xf32>
      %reduce_sum3A_107 = vector.multi_reduction <add>, %mul3A_105, %reduce_sum3A_106 [1] : vector<1024x128xf32> to vector<1024xf32>
      %broadcast_in_dim3A_108 = vector.shape_cast %reduce_sum3A_107 : vector<1024xf32> to vector<1024x1xf32>
      %sqrt3A_109 = math.sqrt %broadcast_in_dim3A_108 : vector<1024x1xf32>
      %gt3A_110 = arith.constant 1.000000e+00 : f32
      %gt3A_111 = vector.broadcast %gt3A_110 : f32 to vector<1024x1xf32>
      %gt3A_112 = arith.cmpf ogt, %sqrt3A_109, %gt3A_111 : vector<1024x1xf32>
      %add3A_113 = arith.constant 1.000000e-07 : f32
      %add3A_114 = vector.broadcast %add3A_113 : f32 to vector<1024x1xf32>
      %add3A_115 = arith.addf %sqrt3A_109, %add3A_114 : vector<1024x1xf32>
      %div3A_116 = arith.constant 1.000000e+00 : f32
      %div3A_117 = vector.broadcast %div3A_116 : f32 to vector<1024x1xf32>
      %div3A_118 = arith.divf %div3A_117, %add3A_115 : vector<1024x1xf32>
      %jit3A_119 = arith.constant 1.000000e+00 : f32
      %broadcast_in_dim3A_120 = vector.broadcast %jit3A_119 : f32 to vector<1024x1xf32>
      %select_n3A_121 = arith.select %gt3A_112, %div3A_118, %broadcast_in_dim3A_120 : vector<1024x1xi1>, vector<1024x1xf32>
      %mul3A_122 = vector.broadcast %select_n3A_121 : vector<1024x1xf32> to vector<1024x128xf32>
      %mul3A_123 = arith.mulf %mul3A_104, %mul3A_122 : vector<1024x128xf32>
      %add3A_124 = arith.addf %add3A_86, %mul3A_123 : vector<1024x128xf32>
      %get3A_125 = arith.constant 3072 : index
      %get3A_126 = arith.constant 0 : index
      %get3A_127 = vector.load %arg1[%get3A_125, %get3A_126] : memref<20480x128xf32, #tpu.memory_space<vmem>>, vector<1024x128xf32>
      %get3A_128 = arith.constant 0 : index
      %get3A_129 = arith.constant 3 : index
      %get3A_130 = vector.load %arg2[%get3A_128, %get3A_129] : memref<1024x20xf32, #tpu.memory_space<vmem>>, vector<1024x1xf32>
      %sub3A_131 = arith.constant 1.000000e+00 : f32
      %sub3A_132 = vector.broadcast %sub3A_131 : f32 to vector<1024x1xf32>
      %sub3A_133 = arith.subf %sub3A_132, %get3A_130 : vector<1024x1xf32>
      %mul3A_134 = vector.broadcast %sub3A_133 : vector<1024x1xf32> to vector<1024x128xf32>
      %mul3A_135 = arith.mulf %convert_element_type3A_17, %mul3A_134 : vector<1024x128xf32>
      %sub3A_136 = arith.constant 1.000000e+00 : f32
      %sub3A_137 = vector.broadcast %sub3A_136 : f32 to vector<1024x128xf32>
      %sub3A_138 = arith.subf %sub3A_137, %convert_element_type3A_17 : vector<1024x128xf32>
      %mul3A_139 = vector.broadcast %get3A_130 : vector<1024x1xf32> to vector<1024x128xf32>
      %mul3A_140 = arith.mulf %sub3A_138, %mul3A_139 : vector<1024x128xf32>
      %add3A_141 = arith.addf %mul3A_135, %mul3A_140 : vector<1024x128xf32>
      %mul3A_142 = arith.mulf %get3A_127, %add3A_141 : vector<1024x128xf32>
      %mul3A_143 = arith.mulf %mul3A_142, %mul3A_142 : vector<1024x128xf32>
      %reduce_sum3A_144 = arith.constant dense<0.000000e+00> : vector<1024xf32>
      %reduce_sum3A_145 = vector.multi_reduction <add>, %mul3A_143, %reduce_sum3A_144 [1] : vector<1024x128xf32> to vector<1024xf32>
      %broadcast_in_dim3A_146 = vector.shape_cast %reduce_sum3A_145 : vector<1024xf32> to vector<1024x1xf32>
      %sqrt3A_147 = math.sqrt %broadcast_in_dim3A_146 : vector<1024x1xf32>
      %gt3A_148 = arith.constant 1.000000e+00 : f32
      %gt3A_149 = vector.broadcast %gt3A_148 : f32 to vector<1024x1xf32>
      %gt3A_150 = arith.cmpf ogt, %sqrt3A_147, %gt3A_149 : vector<1024x1xf32>
      %add3A_151 = arith.constant 1.000000e-07 : f32
      %add3A_152 = vector.broadcast %add3A_151 : f32 to vector<1024x1xf32>
      %add3A_153 = arith.addf %sqrt3A_147, %add3A_152 : vector<1024x1xf32>
      %div3A_154 = arith.constant 1.000000e+00 : f32
      %div3A_155 = vector.broadcast %div3A_154 : f32 to vector<1024x1xf32>
      %div3A_156 = arith.divf %div3A_155, %add3A_153 : vector<1024x1xf32>
      %jit3A_157 = arith.constant 1.000000e+00 : f32
      %broadcast_in_dim3A_158 = vector.broadcast %jit3A_157 : f32 to vector<1024x1xf32>
      %select_n3A_159 = arith.select %gt3A_150, %div3A_156, %broadcast_in_dim3A_158 : vector<1024x1xi1>, vector<1024x1xf32>
      %mul3A_160 = vector.broadcast %select_n3A_159 : vector<1024x1xf32> to vector<1024x128xf32>
      %mul3A_161 = arith.mulf %mul3A_142, %mul3A_160 : vector<1024x128xf32>
      %add3A_162 = arith.addf %add3A_124, %mul3A_161 : vector<1024x128xf32>
      %get3A_163 = arith.constant 4096 : index
      %get3A_164 = arith.constant 0 : index
      %get3A_165 = vector.load %arg1[%get3A_163, %get3A_164] : memref<20480x128xf32, #tpu.memory_space<vmem>>, vector<1024x128xf32>
      %get3A_166 = arith.constant 0 : index
      %get3A_167 = arith.constant 4 : index
      %get3A_168 = vector.load %arg2[%get3A_166, %get3A_167] : memref<1024x20xf32, #tpu.memory_space<vmem>>, vector<1024x1xf32>
      %sub3A_169 = arith.constant 1.000000e+00 : f32
      %sub3A_170 = vector.broadcast %sub3A_169 : f32 to vector<1024x1xf32>
      %sub3A_171 = arith.subf %sub3A_170, %get3A_168 : vector<1024x1xf32>
      %mul3A_172 = vector.broadcast %sub3A_171 : vector<1024x1xf32> to vector<1024x128xf32>
      %mul3A_173 = arith.mulf %convert_element_type3A_17, %mul3A_172 : vector<1024x128xf32>
      %sub3A_174 = arith.constant 1.000000e+00 : f32
      %sub3A_175 = vector.broadcast %sub3A_174 : f32 to vector<1024x128xf32>
      %sub3A_176 = arith.subf %sub3A_175, %convert_element_type3A_17 : vector<1024x128xf32>
      %mul3A_177 = vector.broadcast %get3A_168 : vector<1024x1xf32> to vector<1024x128xf32>
      %mul3A_178 = arith.mulf %sub3A_176, %mul3A_177 : vector<1024x128xf32>
      %add3A_179 = arith.addf %mul3A_173, %mul3A_178 : vector<1024x128xf32>
      %mul3A_180 = arith.mulf %get3A_165, %add3A_179 : vector<1024x128xf32>
      %mul3A_181 = arith.mulf %mul3A_180, %mul3A_180 : vector<1024x128xf32>
      %reduce_sum3A_182 = arith.constant dense<0.000000e+00> : vector<1024xf32>
      %reduce_sum3A_183 = vector.multi_reduction <add>, %mul3A_181, %reduce_sum3A_182 [1] : vector<1024x128xf32> to vector<1024xf32>
      %broadcast_in_dim3A_184 = vector.shape_cast %reduce_sum3A_183 : vector<1024xf32> to vector<1024x1xf32>
      %sqrt3A_185 = math.sqrt %broadcast_in_dim3A_184 : vector<1024x1xf32>
      %gt3A_186 = arith.constant 1.000000e+00 : f32
      %gt3A_187 = vector.broadcast %gt3A_186 : f32 to vector<1024x1xf32>
      %gt3A_188 = arith.cmpf ogt, %sqrt3A_185, %gt3A_187 : vector<1024x1xf32>
      %add3A_189 = arith.constant 1.000000e-07 : f32
      %add3A_190 = vector.broadcast %add3A_189 : f32 to vector<1024x1xf32>
      %add3A_191 = arith.addf %sqrt3A_185, %add3A_190 : vector<1024x1xf32>
      %div3A_192 = arith.constant 1.000000e+00 : f32
      %div3A_193 = vector.broadcast %div3A_192 : f32 to vector<1024x1xf32>
      %div3A_194 = arith.divf %div3A_193, %add3A_191 : vector<1024x1xf32>
      %jit3A_195 = arith.constant 1.000000e+00 : f32
      %broadcast_in_dim3A_196 = vector.broadcast %jit3A_195 : f32 to vector<1024x1xf32>
      %select_n3A_197 = arith.select %gt3A_188, %div3A_194, %broadcast_in_dim3A_196 : vector<1024x1xi1>, vector<1024x1xf32>
      %mul3A_198 = vector.broadcast %select_n3A_197 : vector<1024x1xf32> to vector<1024x128xf32>
      %mul3A_199 = arith.mulf %mul3A_180, %mul3A_198 : vector<1024x128xf32>
      %add3A_200 = arith.addf %add3A_162, %mul3A_199 : vector<1024x128xf32>
      %get3A_201 = arith.constant 5120 : index
      %get3A_202 = arith.constant 0 : index
      %get3A_203 = vector.load %arg1[%get3A_201, %get3A_202] : memref<20480x128xf32, #tpu.memory_space<vmem>>, vector<1024x128xf32>
      %get3A_204 = arith.constant 0 : index
      %get3A_205 = arith.constant 5 : index
      %get3A_206 = vector.load %arg2[%get3A_204, %get3A_205] : memref<1024x20xf32, #tpu.memory_space<vmem>>, vector<1024x1xf32>
      %sub3A_207 = arith.constant 1.000000e+00 : f32
      %sub3A_208 = vector.broadcast %sub3A_207 : f32 to vector<1024x1xf32>
      %sub3A_209 = arith.subf %sub3A_208, %get3A_206 : vector<1024x1xf32>
      %mul3A_210 = vector.broadcast %sub3A_209 : vector<1024x1xf32> to vector<1024x128xf32>
      %mul3A_211 = arith.mulf %convert_element_type3A_17, %mul3A_210 : vector<1024x128xf32>
      %sub3A_212 = arith.constant 1.000000e+00 : f32
      %sub3A_213 = vector.broadcast %sub3A_212 : f32 to vector<1024x128xf32>
      %sub3A_214 = arith.subf %sub3A_213, %convert_element_type3A_17 : vector<1024x128xf32>
      %mul3A_215 = vector.broadcast %get3A_206 : vector<1024x1xf32> to vector<1024x128xf32>
      %mul3A_216 = arith.mulf %sub3A_214, %mul3A_215 : vector<1024x128xf32>
      %add3A_217 = arith.addf %mul3A_211, %mul3A_216 : vector<1024x128xf32>
      %mul3A_218 = arith.mulf %get3A_203, %add3A_217 : vector<1024x128xf32>
      %mul3A_219 = arith.mulf %mul3A_218, %mul3A_218 : vector<1024x128xf32>
      %reduce_sum3A_220 = arith.constant dense<0.000000e+00> : vector<1024xf32>
      %reduce_sum3A_221 = vector.multi_reduction <add>, %mul3A_219, %reduce_sum3A_220 [1] : vector<1024x128xf32> to vector<1024xf32>
      %broadcast_in_dim3A_222 = vector.shape_cast %reduce_sum3A_221 : vector<1024xf32> to vector<1024x1xf32>
      %sqrt3A_223 = math.sqrt %broadcast_in_dim3A_222 : vector<1024x1xf32>
      %gt3A_224 = arith.constant 1.000000e+00 : f32
      %gt3A_225 = vector.broadcast %gt3A_224 : f32 to vector<1024x1xf32>
      %gt3A_226 = arith.cmpf ogt, %sqrt3A_223, %gt3A_225 : vector<1024x1xf32>
      %add3A_227 = arith.constant 1.000000e-07 : f32
      %add3A_228 = vector.broadcast %add3A_227 : f32 to vector<1024x1xf32>
      %add3A_229 = arith.addf %sqrt3A_223, %add3A_228 : vector<1024x1xf32>
      %div3A_230 = arith.constant 1.000000e+00 : f32
      %div3A_231 = vector.broadcast %div3A_230 : f32 to vector<1024x1xf32>
      %div3A_232 = arith.divf %div3A_231, %add3A_229 : vector<1024x1xf32>
      %jit3A_233 = arith.constant 1.000000e+00 : f32
      %broadcast_in_dim3A_234 = vector.broadcast %jit3A_233 : f32 to vector<1024x1xf32>
      %select_n3A_235 = arith.select %gt3A_226, %div3A_232, %broadcast_in_dim3A_234 : vector<1024x1xi1>, vector<1024x1xf32>
      %mul3A_236 = vector.broadcast %select_n3A_235 : vector<1024x1xf32> to vector<1024x128xf32>
      %mul3A_237 = arith.mulf %mul3A_218, %mul3A_236 : vector<1024x128xf32>
      %add3A_238 = arith.addf %add3A_200, %mul3A_237 : vector<1024x128xf32>
      %get3A_239 = arith.constant 6144 : index
      %get3A_240 = arith.constant 0 : index
      %get3A_241 = vector.load %arg1[%get3A_239, %get3A_240] : memref<20480x128xf32, #tpu.memory_space<vmem>>, vector<1024x128xf32>
      %get3A_242 = arith.constant 0 : index
      %get3A_243 = arith.constant 6 : index
      %get3A_244 = vector.load %arg2[%get3A_242, %get3A_243] : memref<1024x20xf32, #tpu.memory_space<vmem>>, vector<1024x1xf32>
      %sub3A_245 = arith.constant 1.000000e+00 : f32
      %sub3A_246 = vector.broadcast %sub3A_245 : f32 to vector<1024x1xf32>
      %sub3A_247 = arith.subf %sub3A_246, %get3A_244 : vector<1024x1xf32>
      %mul3A_248 = vector.broadcast %sub3A_247 : vector<1024x1xf32> to vector<1024x128xf32>
      %mul3A_249 = arith.mulf %convert_element_type3A_17, %mul3A_248 : vector<1024x128xf32>
      %sub3A_250 = arith.constant 1.000000e+00 : f32
      %sub3A_251 = vector.broadcast %sub3A_250 : f32 to vector<1024x128xf32>
      %sub3A_252 = arith.subf %sub3A_251, %convert_element_type3A_17 : vector<1024x128xf32>
      %mul3A_253 = vector.broadcast %get3A_244 : vector<1024x1xf32> to vector<1024x128xf32>
      %mul3A_254 = arith.mulf %sub3A_252, %mul3A_253 : vector<1024x128xf32>
      %add3A_255 = arith.addf %mul3A_249, %mul3A_254 : vector<1024x128xf32>
      %mul3A_256 = arith.mulf %get3A_241, %add3A_255 : vector<1024x128xf32>
      %mul3A_257 = arith.mulf %mul3A_256, %mul3A_256 : vector<1024x128xf32>
      %reduce_sum3A_258 = arith.constant dense<0.000000e+00> : vector<1024xf32>
      %reduce_sum3A_259 = vector.multi_reduction <add>, %mul3A_257, %reduce_sum3A_258 [1] : vector<1024x128xf32> to vector<1024xf32>
      %broadcast_in_dim3A_260 = vector.shape_cast %reduce_sum3A_259 : vector<1024xf32> to vector<1024x1xf32>
      %sqrt3A_261 = math.sqrt %broadcast_in_dim3A_260 : vector<1024x1xf32>
      %gt3A_262 = arith.constant 1.000000e+00 : f32
      %gt3A_263 = vector.broadcast %gt3A_262 : f32 to vector<1024x1xf32>
      %gt3A_264 = arith.cmpf ogt, %sqrt3A_261, %gt3A_263 : vector<1024x1xf32>
      %add3A_265 = arith.constant 1.000000e-07 : f32
      %add3A_266 = vector.broadcast %add3A_265 : f32 to vector<1024x1xf32>
      %add3A_267 = arith.addf %sqrt3A_261, %add3A_266 : vector<1024x1xf32>
      %div3A_268 = arith.constant 1.000000e+00 : f32
      %div3A_269 = vector.broadcast %div3A_268 : f32 to vector<1024x1xf32>
      %div3A_270 = arith.divf %div3A_269, %add3A_267 : vector<1024x1xf32>
      %jit3A_271 = arith.constant 1.000000e+00 : f32
      %broadcast_in_dim3A_272 = vector.broadcast %jit3A_271 : f32 to vector<1024x1xf32>
      %select_n3A_273 = arith.select %gt3A_264, %div3A_270, %broadcast_in_dim3A_272 : vector<1024x1xi1>, vector<1024x1xf32>
      %mul3A_274 = vector.broadcast %select_n3A_273 : vector<1024x1xf32> to vector<1024x128xf32>
      %mul3A_275 = arith.mulf %mul3A_256, %mul3A_274 : vector<1024x128xf32>
      %add3A_276 = arith.addf %add3A_238, %mul3A_275 : vector<1024x128xf32>
      %get3A_277 = arith.constant 7168 : index
      %get3A_278 = arith.constant 0 : index
      %get3A_279 = vector.load %arg1[%get3A_277, %get3A_278] : memref<20480x128xf32, #tpu.memory_space<vmem>>, vector<1024x128xf32>
      %get3A_280 = arith.constant 0 : index
      %get3A_281 = arith.constant 7 : index
      %get3A_282 = vector.load %arg2[%get3A_280, %get3A_281] : memref<1024x20xf32, #tpu.memory_space<vmem>>, vector<1024x1xf32>
      %sub3A_283 = arith.constant 1.000000e+00 : f32
      %sub3A_284 = vector.broadcast %sub3A_283 : f32 to vector<1024x1xf32>
      %sub3A_285 = arith.subf %sub3A_284, %get3A_282 : vector<1024x1xf32>
      %mul3A_286 = vector.broadcast %sub3A_285 : vector<1024x1xf32> to vector<1024x128xf32>
      %mul3A_287 = arith.mulf %convert_element_type3A_17, %mul3A_286 : vector<1024x128xf32>
      %sub3A_288 = arith.constant 1.000000e+00 : f32
      %sub3A_289 = vector.broadcast %sub3A_288 : f32 to vector<1024x128xf32>
      %sub3A_290 = arith.subf %sub3A_289, %convert_element_type3A_17 : vector<1024x128xf32>
      %mul3A_291 = vector.broadcast %get3A_282 : vector<1024x1xf32> to vector<1024x128xf32>
      %mul3A_292 = arith.mulf %sub3A_290, %mul3A_291 : vector<1024x128xf32>
      %add3A_293 = arith.addf %mul3A_287, %mul3A_292 : vector<1024x128xf32>
      %mul3A_294 = arith.mulf %get3A_279, %add3A_293 : vector<1024x128xf32>
      %mul3A_295 = arith.mulf %mul3A_294, %mul3A_294 : vector<1024x128xf32>
      %reduce_sum3A_296 = arith.constant dense<0.000000e+00> : vector<1024xf32>
      %reduce_sum3A_297 = vector.multi_reduction <add>, %mul3A_295, %reduce_sum3A_296 [1] : vector<1024x128xf32> to vector<1024xf32>
      %broadcast_in_dim3A_298 = vector.shape_cast %reduce_sum3A_297 : vector<1024xf32> to vector<1024x1xf32>
      %sqrt3A_299 = math.sqrt %broadcast_in_dim3A_298 : vector<1024x1xf32>
      %gt3A_300 = arith.constant 1.000000e+00 : f32
      %gt3A_301 = vector.broadcast %gt3A_300 : f32 to vector<1024x1xf32>
      %gt3A_302 = arith.cmpf ogt, %sqrt3A_299, %gt3A_301 : vector<1024x1xf32>
      %add3A_303 = arith.constant 1.000000e-07 : f32
      %add3A_304 = vector.broadcast %add3A_303 : f32 to vector<1024x1xf32>
      %add3A_305 = arith.addf %sqrt3A_299, %add3A_304 : vector<1024x1xf32>
      %div3A_306 = arith.constant 1.000000e+00 : f32
      %div3A_307 = vector.broadcast %div3A_306 : f32 to vector<1024x1xf32>
      %div3A_308 = arith.divf %div3A_307, %add3A_305 : vector<1024x1xf32>
      %jit3A_309 = arith.constant 1.000000e+00 : f32
      %broadcast_in_dim3A_310 = vector.broadcast %jit3A_309 : f32 to vector<1024x1xf32>
      %select_n3A_311 = arith.select %gt3A_302, %div3A_308, %broadcast_in_dim3A_310 : vector<1024x1xi1>, vector<1024x1xf32>
      %mul3A_312 = vector.broadcast %select_n3A_311 : vector<1024x1xf32> to vector<1024x128xf32>
      %mul3A_313 = arith.mulf %mul3A_294, %mul3A_312 : vector<1024x128xf32>
      %add3A_314 = arith.addf %add3A_276, %mul3A_313 : vector<1024x128xf32>
      %get3A_315 = arith.constant 8192 : index
      %get3A_316 = arith.constant 0 : index
      %get3A_317 = vector.load %arg1[%get3A_315, %get3A_316] : memref<20480x128xf32, #tpu.memory_space<vmem>>, vector<1024x128xf32>
      %get3A_318 = arith.constant 0 : index
      %get3A_319 = arith.constant 8 : index
      %get3A_320 = vector.load %arg2[%get3A_318, %get3A_319] : memref<1024x20xf32, #tpu.memory_space<vmem>>, vector<1024x1xf32>
      %sub3A_321 = arith.constant 1.000000e+00 : f32
      %sub3A_322 = vector.broadcast %sub3A_321 : f32 to vector<1024x1xf32>
      %sub3A_323 = arith.subf %sub3A_322, %get3A_320 : vector<1024x1xf32>
      %mul3A_324 = vector.broadcast %sub3A_323 : vector<1024x1xf32> to vector<1024x128xf32>
      %mul3A_325 = arith.mulf %convert_element_type3A_17, %mul3A_324 : vector<1024x128xf32>
      %sub3A_326 = arith.constant 1.000000e+00 : f32
      %sub3A_327 = vector.broadcast %sub3A_326 : f32 to vector<1024x128xf32>
      %sub3A_328 = arith.subf %sub3A_327, %convert_element_type3A_17 : vector<1024x128xf32>
      %mul3A_329 = vector.broadcast %get3A_320 : vector<1024x1xf32> to vector<1024x128xf32>
      %mul3A_330 = arith.mulf %sub3A_328, %mul3A_329 : vector<1024x128xf32>
      %add3A_331 = arith.addf %mul3A_325, %mul3A_330 : vector<1024x128xf32>
      %mul3A_332 = arith.mulf %get3A_317, %add3A_331 : vector<1024x128xf32>
      %mul3A_333 = arith.mulf %mul3A_332, %mul3A_332 : vector<1024x128xf32>
      %reduce_sum3A_334 = arith.constant dense<0.000000e+00> : vector<1024xf32>
      %reduce_sum3A_335 = vector.multi_reduction <add>, %mul3A_333, %reduce_sum3A_334 [1] : vector<1024x128xf32> to vector<1024xf32>
      %broadcast_in_dim3A_336 = vector.shape_cast %reduce_sum3A_335 : vector<1024xf32> to vector<1024x1xf32>
      %sqrt3A_337 = math.sqrt %broadcast_in_dim3A_336 : vector<1024x1xf32>
      %gt3A_338 = arith.constant 1.000000e+00 : f32
      %gt3A_339 = vector.broadcast %gt3A_338 : f32 to vector<1024x1xf32>
      %gt3A_340 = arith.cmpf ogt, %sqrt3A_337, %gt3A_339 : vector<1024x1xf32>
      %add3A_341 = arith.constant 1.000000e-07 : f32
      %add3A_342 = vector.broadcast %add3A_341 : f32 to vector<1024x1xf32>
      %add3A_343 = arith.addf %sqrt3A_337, %add3A_342 : vector<1024x1xf32>
      %div3A_344 = arith.constant 1.000000e+00 : f32
      %div3A_345 = vector.broadcast %div3A_344 : f32 to vector<1024x1xf32>
      %div3A_346 = arith.divf %div3A_345, %add3A_343 : vector<1024x1xf32>
      %jit3A_347 = arith.constant 1.000000e+00 : f32
      %broadcast_in_dim3A_348 = vector.broadcast %jit3A_347 : f32 to vector<1024x1xf32>
      %select_n3A_349 = arith.select %gt3A_340, %div3A_346, %broadcast_in_dim3A_348 : vector<1024x1xi1>, vector<1024x1xf32>
      %mul3A_350 = vector.broadcast %select_n3A_349 : vector<1024x1xf32> to vector<1024x128xf32>
      %mul3A_351 = arith.mulf %mul3A_332, %mul3A_350 : vector<1024x128xf32>
      %add3A_352 = arith.addf %add3A_314, %mul3A_351 : vector<1024x128xf32>
      %get3A_353 = arith.constant 9216 : index
      %get3A_354 = arith.constant 0 : index
      %get3A_355 = vector.load %arg1[%get3A_353, %get3A_354] : memref<20480x128xf32, #tpu.memory_space<vmem>>, vector<1024x128xf32>
      %get3A_356 = arith.constant 0 : index
      %get3A_357 = arith.constant 9 : index
      %get3A_358 = vector.load %arg2[%get3A_356, %get3A_357] : memref<1024x20xf32, #tpu.memory_space<vmem>>, vector<1024x1xf32>
      %sub3A_359 = arith.constant 1.000000e+00 : f32
      %sub3A_360 = vector.broadcast %sub3A_359 : f32 to vector<1024x1xf32>
      %sub3A_361 = arith.subf %sub3A_360, %get3A_358 : vector<1024x1xf32>
      %mul3A_362 = vector.broadcast %sub3A_361 : vector<1024x1xf32> to vector<1024x128xf32>
      %mul3A_363 = arith.mulf %convert_element_type3A_17, %mul3A_362 : vector<1024x128xf32>
      %sub3A_364 = arith.constant 1.000000e+00 : f32
      %sub3A_365 = vector.broadcast %sub3A_364 : f32 to vector<1024x128xf32>
      %sub3A_366 = arith.subf %sub3A_365, %convert_element_type3A_17 : vector<1024x128xf32>
      %mul3A_367 = vector.broadcast %get3A_358 : vector<1024x1xf32> to vector<1024x128xf32>
      %mul3A_368 = arith.mulf %sub3A_366, %mul3A_367 : vector<1024x128xf32>
      %add3A_369 = arith.addf %mul3A_363, %mul3A_368 : vector<1024x128xf32>
      %mul3A_370 = arith.mulf %get3A_355, %add3A_369 : vector<1024x128xf32>
      %mul3A_371 = arith.mulf %mul3A_370, %mul3A_370 : vector<1024x128xf32>
      %reduce_sum3A_372 = arith.constant dense<0.000000e+00> : vector<1024xf32>
      %reduce_sum3A_373 = vector.multi_reduction <add>, %mul3A_371, %reduce_sum3A_372 [1] : vector<1024x128xf32> to vector<1024xf32>
      %broadcast_in_dim3A_374 = vector.shape_cast %reduce_sum3A_373 : vector<1024xf32> to vector<1024x1xf32>
      %sqrt3A_375 = math.sqrt %broadcast_in_dim3A_374 : vector<1024x1xf32>
      %gt3A_376 = arith.constant 1.000000e+00 : f32
      %gt3A_377 = vector.broadcast %gt3A_376 : f32 to vector<1024x1xf32>
      %gt3A_378 = arith.cmpf ogt, %sqrt3A_375, %gt3A_377 : vector<1024x1xf32>
      %add3A_379 = arith.constant 1.000000e-07 : f32
      %add3A_380 = vector.broadcast %add3A_379 : f32 to vector<1024x1xf32>
      %add3A_381 = arith.addf %sqrt3A_375, %add3A_380 : vector<1024x1xf32>
      %div3A_382 = arith.constant 1.000000e+00 : f32
      %div3A_383 = vector.broadcast %div3A_382 : f32 to vector<1024x1xf32>
      %div3A_384 = arith.divf %div3A_383, %add3A_381 : vector<1024x1xf32>
      %jit3A_385 = arith.constant 1.000000e+00 : f32
      %broadcast_in_dim3A_386 = vector.broadcast %jit3A_385 : f32 to vector<1024x1xf32>
      %select_n3A_387 = arith.select %gt3A_378, %div3A_384, %broadcast_in_dim3A_386 : vector<1024x1xi1>, vector<1024x1xf32>
      %mul3A_388 = vector.broadcast %select_n3A_387 : vector<1024x1xf32> to vector<1024x128xf32>
      %mul3A_389 = arith.mulf %mul3A_370, %mul3A_388 : vector<1024x128xf32>
      %add3A_390 = arith.addf %add3A_352, %mul3A_389 : vector<1024x128xf32>
      %get3A_391 = arith.constant 10240 : index
      %get3A_392 = arith.constant 0 : index
      %get3A_393 = vector.load %arg1[%get3A_391, %get3A_392] : memref<20480x128xf32, #tpu.memory_space<vmem>>, vector<1024x128xf32>
      %get3A_394 = arith.constant 0 : index
      %get3A_395 = arith.constant 10 : index
      %get3A_396 = vector.load %arg2[%get3A_394, %get3A_395] : memref<1024x20xf32, #tpu.memory_space<vmem>>, vector<1024x1xf32>
      %sub3A_397 = arith.constant 1.000000e+00 : f32
      %sub3A_398 = vector.broadcast %sub3A_397 : f32 to vector<1024x1xf32>
      %sub3A_399 = arith.subf %sub3A_398, %get3A_396 : vector<1024x1xf32>
      %mul3A_400 = vector.broadcast %sub3A_399 : vector<1024x1xf32> to vector<1024x128xf32>
      %mul3A_401 = arith.mulf %convert_element_type3A_17, %mul3A_400 : vector<1024x128xf32>
      %sub3A_402 = arith.constant 1.000000e+00 : f32
      %sub3A_403 = vector.broadcast %sub3A_402 : f32 to vector<1024x128xf32>
      %sub3A_404 = arith.subf %sub3A_403, %convert_element_type3A_17 : vector<1024x128xf32>
      %mul3A_405 = vector.broadcast %get3A_396 : vector<1024x1xf32> to vector<1024x128xf32>
      %mul3A_406 = arith.mulf %sub3A_404, %mul3A_405 : vector<1024x128xf32>
      %add3A_407 = arith.addf %mul3A_401, %mul3A_406 : vector<1024x128xf32>
      %mul3A_408 = arith.mulf %get3A_393, %add3A_407 : vector<1024x128xf32>
      %mul3A_409 = arith.mulf %mul3A_408, %mul3A_408 : vector<1024x128xf32>
      %reduce_sum3A_410 = arith.constant dense<0.000000e+00> : vector<1024xf32>
      %reduce_sum3A_411 = vector.multi_reduction <add>, %mul3A_409, %reduce_sum3A_410 [1] : vector<1024x128xf32> to vector<1024xf32>
      %broadcast_in_dim3A_412 = vector.shape_cast %reduce_sum3A_411 : vector<1024xf32> to vector<1024x1xf32>
      %sqrt3A_413 = math.sqrt %broadcast_in_dim3A_412 : vector<1024x1xf32>
      %gt3A_414 = arith.constant 1.000000e+00 : f32
      %gt3A_415 = vector.broadcast %gt3A_414 : f32 to vector<1024x1xf32>
      %gt3A_416 = arith.cmpf ogt, %sqrt3A_413, %gt3A_415 : vector<1024x1xf32>
      %add3A_417 = arith.constant 1.000000e-07 : f32
      %add3A_418 = vector.broadcast %add3A_417 : f32 to vector<1024x1xf32>
      %add3A_419 = arith.addf %sqrt3A_413, %add3A_418 : vector<1024x1xf32>
      %div3A_420 = arith.constant 1.000000e+00 : f32
      %div3A_421 = vector.broadcast %div3A_420 : f32 to vector<1024x1xf32>
      %div3A_422 = arith.divf %div3A_421, %add3A_419 : vector<1024x1xf32>
      %jit3A_423 = arith.constant 1.000000e+00 : f32
      %broadcast_in_dim3A_424 = vector.broadcast %jit3A_423 : f32 to vector<1024x1xf32>
      %select_n3A_425 = arith.select %gt3A_416, %div3A_422, %broadcast_in_dim3A_424 : vector<1024x1xi1>, vector<1024x1xf32>
      %mul3A_426 = vector.broadcast %select_n3A_425 : vector<1024x1xf32> to vector<1024x128xf32>
      %mul3A_427 = arith.mulf %mul3A_408, %mul3A_426 : vector<1024x128xf32>
      %add3A_428 = arith.addf %add3A_390, %mul3A_427 : vector<1024x128xf32>
      %get3A_429 = arith.constant 11264 : index
      %get3A_430 = arith.constant 0 : index
      %get3A_431 = vector.load %arg1[%get3A_429, %get3A_430] : memref<20480x128xf32, #tpu.memory_space<vmem>>, vector<1024x128xf32>
      %get3A_432 = arith.constant 0 : index
      %get3A_433 = arith.constant 11 : index
      %get3A_434 = vector.load %arg2[%get3A_432, %get3A_433] : memref<1024x20xf32, #tpu.memory_space<vmem>>, vector<1024x1xf32>
      %sub3A_435 = arith.constant 1.000000e+00 : f32
      %sub3A_436 = vector.broadcast %sub3A_435 : f32 to vector<1024x1xf32>
      %sub3A_437 = arith.subf %sub3A_436, %get3A_434 : vector<1024x1xf32>
      %mul3A_438 = vector.broadcast %sub3A_437 : vector<1024x1xf32> to vector<1024x128xf32>
      %mul3A_439 = arith.mulf %convert_element_type3A_17, %mul3A_438 : vector<1024x128xf32>
      %sub3A_440 = arith.constant 1.000000e+00 : f32
      %sub3A_441 = vector.broadcast %sub3A_440 : f32 to vector<1024x128xf32>
      %sub3A_442 = arith.subf %sub3A_441, %convert_element_type3A_17 : vector<1024x128xf32>
      %mul3A_443 = vector.broadcast %get3A_434 : vector<1024x1xf32> to vector<1024x128xf32>
      %mul3A_444 = arith.mulf %sub3A_442, %mul3A_443 : vector<1024x128xf32>
      %add3A_445 = arith.addf %mul3A_439, %mul3A_444 : vector<1024x128xf32>
      %mul3A_446 = arith.mulf %get3A_431, %add3A_445 : vector<1024x128xf32>
      %mul3A_447 = arith.mulf %mul3A_446, %mul3A_446 : vector<1024x128xf32>
      %reduce_sum3A_448 = arith.constant dense<0.000000e+00> : vector<1024xf32>
      %reduce_sum3A_449 = vector.multi_reduction <add>, %mul3A_447, %reduce_sum3A_448 [1] : vector<1024x128xf32> to vector<1024xf32>
      %broadcast_in_dim3A_450 = vector.shape_cast %reduce_sum3A_449 : vector<1024xf32> to vector<1024x1xf32>
      %sqrt3A_451 = math.sqrt %broadcast_in_dim3A_450 : vector<1024x1xf32>
      %gt3A_452 = arith.constant 1.000000e+00 : f32
      %gt3A_453 = vector.broadcast %gt3A_452 : f32 to vector<1024x1xf32>
      %gt3A_454 = arith.cmpf ogt, %sqrt3A_451, %gt3A_453 : vector<1024x1xf32>
      %add3A_455 = arith.constant 1.000000e-07 : f32
      %add3A_456 = vector.broadcast %add3A_455 : f32 to vector<1024x1xf32>
      %add3A_457 = arith.addf %sqrt3A_451, %add3A_456 : vector<1024x1xf32>
      %div3A_458 = arith.constant 1.000000e+00 : f32
      %div3A_459 = vector.broadcast %div3A_458 : f32 to vector<1024x1xf32>
      %div3A_460 = arith.divf %div3A_459, %add3A_457 : vector<1024x1xf32>
      %jit3A_461 = arith.constant 1.000000e+00 : f32
      %broadcast_in_dim3A_462 = vector.broadcast %jit3A_461 : f32 to vector<1024x1xf32>
      %select_n3A_463 = arith.select %gt3A_454, %div3A_460, %broadcast_in_dim3A_462 : vector<1024x1xi1>, vector<1024x1xf32>
      %mul3A_464 = vector.broadcast %select_n3A_463 : vector<1024x1xf32> to vector<1024x128xf32>
      %mul3A_465 = arith.mulf %mul3A_446, %mul3A_464 : vector<1024x128xf32>
      %add3A_466 = arith.addf %add3A_428, %mul3A_465 : vector<1024x128xf32>
      %get3A_467 = arith.constant 12288 : index
      %get3A_468 = arith.constant 0 : index
      %get3A_469 = vector.load %arg1[%get3A_467, %get3A_468] : memref<20480x128xf32, #tpu.memory_space<vmem>>, vector<1024x128xf32>
      %get3A_470 = arith.constant 0 : index
      %get3A_471 = arith.constant 12 : index
      %get3A_472 = vector.load %arg2[%get3A_470, %get3A_471] : memref<1024x20xf32, #tpu.memory_space<vmem>>, vector<1024x1xf32>
      %sub3A_473 = arith.constant 1.000000e+00 : f32
      %sub3A_474 = vector.broadcast %sub3A_473 : f32 to vector<1024x1xf32>
      %sub3A_475 = arith.subf %sub3A_474, %get3A_472 : vector<1024x1xf32>
      %mul3A_476 = vector.broadcast %sub3A_475 : vector<1024x1xf32> to vector<1024x128xf32>
      %mul3A_477 = arith.mulf %convert_element_type3A_17, %mul3A_476 : vector<1024x128xf32>
      %sub3A_478 = arith.constant 1.000000e+00 : f32
      %sub3A_479 = vector.broadcast %sub3A_478 : f32 to vector<1024x128xf32>
      %sub3A_480 = arith.subf %sub3A_479, %convert_element_type3A_17 : vector<1024x128xf32>
      %mul3A_481 = vector.broadcast %get3A_472 : vector<1024x1xf32> to vector<1024x128xf32>
      %mul3A_482 = arith.mulf %sub3A_480, %mul3A_481 : vector<1024x128xf32>
      %add3A_483 = arith.addf %mul3A_477, %mul3A_482 : vector<1024x128xf32>
      %mul3A_484 = arith.mulf %get3A_469, %add3A_483 : vector<1024x128xf32>
      %mul3A_485 = arith.mulf %mul3A_484, %mul3A_484 : vector<1024x128xf32>
      %reduce_sum3A_486 = arith.constant dense<0.000000e+00> : vector<1024xf32>
      %reduce_sum3A_487 = vector.multi_reduction <add>, %mul3A_485, %reduce_sum3A_486 [1] : vector<1024x128xf32> to vector<1024xf32>
      %broadcast_in_dim3A_488 = vector.shape_cast %reduce_sum3A_487 : vector<1024xf32> to vector<1024x1xf32>
      %sqrt3A_489 = math.sqrt %broadcast_in_dim3A_488 : vector<1024x1xf32>
      %gt3A_490 = arith.constant 1.000000e+00 : f32
      %gt3A_491 = vector.broadcast %gt3A_490 : f32 to vector<1024x1xf32>
      %gt3A_492 = arith.cmpf ogt, %sqrt3A_489, %gt3A_491 : vector<1024x1xf32>
      %add3A_493 = arith.constant 1.000000e-07 : f32
      %add3A_494 = vector.broadcast %add3A_493 : f32 to vector<1024x1xf32>
      %add3A_495 = arith.addf %sqrt3A_489, %add3A_494 : vector<1024x1xf32>
      %div3A_496 = arith.constant 1.000000e+00 : f32
      %div3A_497 = vector.broadcast %div3A_496 : f32 to vector<1024x1xf32>
      %div3A_498 = arith.divf %div3A_497, %add3A_495 : vector<1024x1xf32>
      %jit3A_499 = arith.constant 1.000000e+00 : f32
      %broadcast_in_dim3A_500 = vector.broadcast %jit3A_499 : f32 to vector<1024x1xf32>
      %select_n3A_501 = arith.select %gt3A_492, %div3A_498, %broadcast_in_dim3A_500 : vector<1024x1xi1>, vector<1024x1xf32>
      %mul3A_502 = vector.broadcast %select_n3A_501 : vector<1024x1xf32> to vector<1024x128xf32>
      %mul3A_503 = arith.mulf %mul3A_484, %mul3A_502 : vector<1024x128xf32>
      %add3A_504 = arith.addf %add3A_466, %mul3A_503 : vector<1024x128xf32>
      %get3A_505 = arith.constant 13312 : index
      %get3A_506 = arith.constant 0 : index
      %get3A_507 = vector.load %arg1[%get3A_505, %get3A_506] : memref<20480x128xf32, #tpu.memory_space<vmem>>, vector<1024x128xf32>
      %get3A_508 = arith.constant 0 : index
      %get3A_509 = arith.constant 13 : index
      %get3A_510 = vector.load %arg2[%get3A_508, %get3A_509] : memref<1024x20xf32, #tpu.memory_space<vmem>>, vector<1024x1xf32>
      %sub3A_511 = arith.constant 1.000000e+00 : f32
      %sub3A_512 = vector.broadcast %sub3A_511 : f32 to vector<1024x1xf32>
      %sub3A_513 = arith.subf %sub3A_512, %get3A_510 : vector<1024x1xf32>
      %mul3A_514 = vector.broadcast %sub3A_513 : vector<1024x1xf32> to vector<1024x128xf32>
      %mul3A_515 = arith.mulf %convert_element_type3A_17, %mul3A_514 : vector<1024x128xf32>
      %sub3A_516 = arith.constant 1.000000e+00 : f32
      %sub3A_517 = vector.broadcast %sub3A_516 : f32 to vector<1024x128xf32>
      %sub3A_518 = arith.subf %sub3A_517, %convert_element_type3A_17 : vector<1024x128xf32>
      %mul3A_519 = vector.broadcast %get3A_510 : vector<1024x1xf32> to vector<1024x128xf32>
      %mul3A_520 = arith.mulf %sub3A_518, %mul3A_519 : vector<1024x128xf32>
      %add3A_521 = arith.addf %mul3A_515, %mul3A_520 : vector<1024x128xf32>
      %mul3A_522 = arith.mulf %get3A_507, %add3A_521 : vector<1024x128xf32>
      %mul3A_523 = arith.mulf %mul3A_522, %mul3A_522 : vector<1024x128xf32>
      %reduce_sum3A_524 = arith.constant dense<0.000000e+00> : vector<1024xf32>
      %reduce_sum3A_525 = vector.multi_reduction <add>, %mul3A_523, %reduce_sum3A_524 [1] : vector<1024x128xf32> to vector<1024xf32>
      %broadcast_in_dim3A_526 = vector.shape_cast %reduce_sum3A_525 : vector<1024xf32> to vector<1024x1xf32>
      %sqrt3A_527 = math.sqrt %broadcast_in_dim3A_526 : vector<1024x1xf32>
      %gt3A_528 = arith.constant 1.000000e+00 : f32
      %gt3A_529 = vector.broadcast %gt3A_528 : f32 to vector<1024x1xf32>
      %gt3A_530 = arith.cmpf ogt, %sqrt3A_527, %gt3A_529 : vector<1024x1xf32>
      %add3A_531 = arith.constant 1.000000e-07 : f32
      %add3A_532 = vector.broadcast %add3A_531 : f32 to vector<1024x1xf32>
      %add3A_533 = arith.addf %sqrt3A_527, %add3A_532 : vector<1024x1xf32>
      %div3A_534 = arith.constant 1.000000e+00 : f32
      %div3A_535 = vector.broadcast %div3A_534 : f32 to vector<1024x1xf32>
      %div3A_536 = arith.divf %div3A_535, %add3A_533 : vector<1024x1xf32>
      %jit3A_537 = arith.constant 1.000000e+00 : f32
      %broadcast_in_dim3A_538 = vector.broadcast %jit3A_537 : f32 to vector<1024x1xf32>
      %select_n3A_539 = arith.select %gt3A_530, %div3A_536, %broadcast_in_dim3A_538 : vector<1024x1xi1>, vector<1024x1xf32>
      %mul3A_540 = vector.broadcast %select_n3A_539 : vector<1024x1xf32> to vector<1024x128xf32>
      %mul3A_541 = arith.mulf %mul3A_522, %mul3A_540 : vector<1024x128xf32>
      %add3A_542 = arith.addf %add3A_504, %mul3A_541 : vector<1024x128xf32>
      %get3A_543 = arith.constant 14336 : index
      %get3A_544 = arith.constant 0 : index
      %get3A_545 = vector.load %arg1[%get3A_543, %get3A_544] : memref<20480x128xf32, #tpu.memory_space<vmem>>, vector<1024x128xf32>
      %get3A_546 = arith.constant 0 : index
      %get3A_547 = arith.constant 14 : index
      %get3A_548 = vector.load %arg2[%get3A_546, %get3A_547] : memref<1024x20xf32, #tpu.memory_space<vmem>>, vector<1024x1xf32>
      %sub3A_549 = arith.constant 1.000000e+00 : f32
      %sub3A_550 = vector.broadcast %sub3A_549 : f32 to vector<1024x1xf32>
      %sub3A_551 = arith.subf %sub3A_550, %get3A_548 : vector<1024x1xf32>
      %mul3A_552 = vector.broadcast %sub3A_551 : vector<1024x1xf32> to vector<1024x128xf32>
      %mul3A_553 = arith.mulf %convert_element_type3A_17, %mul3A_552 : vector<1024x128xf32>
      %sub3A_554 = arith.constant 1.000000e+00 : f32
      %sub3A_555 = vector.broadcast %sub3A_554 : f32 to vector<1024x128xf32>
      %sub3A_556 = arith.subf %sub3A_555, %convert_element_type3A_17 : vector<1024x128xf32>
      %mul3A_557 = vector.broadcast %get3A_548 : vector<1024x1xf32> to vector<1024x128xf32>
      %mul3A_558 = arith.mulf %sub3A_556, %mul3A_557 : vector<1024x128xf32>
      %add3A_559 = arith.addf %mul3A_553, %mul3A_558 : vector<1024x128xf32>
      %mul3A_560 = arith.mulf %get3A_545, %add3A_559 : vector<1024x128xf32>
      %mul3A_561 = arith.mulf %mul3A_560, %mul3A_560 : vector<1024x128xf32>
      %reduce_sum3A_562 = arith.constant dense<0.000000e+00> : vector<1024xf32>
      %reduce_sum3A_563 = vector.multi_reduction <add>, %mul3A_561, %reduce_sum3A_562 [1] : vector<1024x128xf32> to vector<1024xf32>
      %broadcast_in_dim3A_564 = vector.shape_cast %reduce_sum3A_563 : vector<1024xf32> to vector<1024x1xf32>
      %sqrt3A_565 = math.sqrt %broadcast_in_dim3A_564 : vector<1024x1xf32>
      %gt3A_566 = arith.constant 1.000000e+00 : f32
      %gt3A_567 = vector.broadcast %gt3A_566 : f32 to vector<1024x1xf32>
      %gt3A_568 = arith.cmpf ogt, %sqrt3A_565, %gt3A_567 : vector<1024x1xf32>
      %add3A_569 = arith.constant 1.000000e-07 : f32
      %add3A_570 = vector.broadcast %add3A_569 : f32 to vector<1024x1xf32>
      %add3A_571 = arith.addf %sqrt3A_565, %add3A_570 : vector<1024x1xf32>
      %div3A_572 = arith.constant 1.000000e+00 : f32
      %div3A_573 = vector.broadcast %div3A_572 : f32 to vector<1024x1xf32>
      %div3A_574 = arith.divf %div3A_573, %add3A_571 : vector<1024x1xf32>
      %jit3A_575 = arith.constant 1.000000e+00 : f32
      %broadcast_in_dim3A_576 = vector.broadcast %jit3A_575 : f32 to vector<1024x1xf32>
      %select_n3A_577 = arith.select %gt3A_568, %div3A_574, %broadcast_in_dim3A_576 : vector<1024x1xi1>, vector<1024x1xf32>
      %mul3A_578 = vector.broadcast %select_n3A_577 : vector<1024x1xf32> to vector<1024x128xf32>
      %mul3A_579 = arith.mulf %mul3A_560, %mul3A_578 : vector<1024x128xf32>
      %add3A_580 = arith.addf %add3A_542, %mul3A_579 : vector<1024x128xf32>
      %get3A_581 = arith.constant 15360 : index
      %get3A_582 = arith.constant 0 : index
      %get3A_583 = vector.load %arg1[%get3A_581, %get3A_582] : memref<20480x128xf32, #tpu.memory_space<vmem>>, vector<1024x128xf32>
      %get3A_584 = arith.constant 0 : index
      %get3A_585 = arith.constant 15 : index
      %get3A_586 = vector.load %arg2[%get3A_584, %get3A_585] : memref<1024x20xf32, #tpu.memory_space<vmem>>, vector<1024x1xf32>
      %sub3A_587 = arith.constant 1.000000e+00 : f32
      %sub3A_588 = vector.broadcast %sub3A_587 : f32 to vector<1024x1xf32>
      %sub3A_589 = arith.subf %sub3A_588, %get3A_586 : vector<1024x1xf32>
      %mul3A_590 = vector.broadcast %sub3A_589 : vector<1024x1xf32> to vector<1024x128xf32>
      %mul3A_591 = arith.mulf %convert_element_type3A_17, %mul3A_590 : vector<1024x128xf32>
      %sub3A_592 = arith.constant 1.000000e+00 : f32
      %sub3A_593 = vector.broadcast %sub3A_592 : f32 to vector<1024x128xf32>
      %sub3A_594 = arith.subf %sub3A_593, %convert_element_type3A_17 : vector<1024x128xf32>
      %mul3A_595 = vector.broadcast %get3A_586 : vector<1024x1xf32> to vector<1024x128xf32>
      %mul3A_596 = arith.mulf %sub3A_594, %mul3A_595 : vector<1024x128xf32>
      %add3A_597 = arith.addf %mul3A_591, %mul3A_596 : vector<1024x128xf32>
      %mul3A_598 = arith.mulf %get3A_583, %add3A_597 : vector<1024x128xf32>
      %mul3A_599 = arith.mulf %mul3A_598, %mul3A_598 : vector<1024x128xf32>
      %reduce_sum3A_600 = arith.constant dense<0.000000e+00> : vector<1024xf32>
      %reduce_sum3A_601 = vector.multi_reduction <add>, %mul3A_599, %reduce_sum3A_600 [1] : vector<1024x128xf32> to vector<1024xf32>
      %broadcast_in_dim3A_602 = vector.shape_cast %reduce_sum3A_601 : vector<1024xf32> to vector<1024x1xf32>
      %sqrt3A_603 = math.sqrt %broadcast_in_dim3A_602 : vector<1024x1xf32>
      %gt3A_604 = arith.constant 1.000000e+00 : f32
      %gt3A_605 = vector.broadcast %gt3A_604 : f32 to vector<1024x1xf32>
      %gt3A_606 = arith.cmpf ogt, %sqrt3A_603, %gt3A_605 : vector<1024x1xf32>
      %add3A_607 = arith.constant 1.000000e-07 : f32
      %add3A_608 = vector.broadcast %add3A_607 : f32 to vector<1024x1xf32>
      %add3A_609 = arith.addf %sqrt3A_603, %add3A_608 : vector<1024x1xf32>
      %div3A_610 = arith.constant 1.000000e+00 : f32
      %div3A_611 = vector.broadcast %div3A_610 : f32 to vector<1024x1xf32>
      %div3A_612 = arith.divf %div3A_611, %add3A_609 : vector<1024x1xf32>
      %jit3A_613 = arith.constant 1.000000e+00 : f32
      %broadcast_in_dim3A_614 = vector.broadcast %jit3A_613 : f32 to vector<1024x1xf32>
      %select_n3A_615 = arith.select %gt3A_606, %div3A_612, %broadcast_in_dim3A_614 : vector<1024x1xi1>, vector<1024x1xf32>
      %mul3A_616 = vector.broadcast %select_n3A_615 : vector<1024x1xf32> to vector<1024x128xf32>
      %mul3A_617 = arith.mulf %mul3A_598, %mul3A_616 : vector<1024x128xf32>
      %add3A_618 = arith.addf %add3A_580, %mul3A_617 : vector<1024x128xf32>
      %get3A_619 = arith.constant 16384 : index
      %get3A_620 = arith.constant 0 : index
      %get3A_621 = vector.load %arg1[%get3A_619, %get3A_620] : memref<20480x128xf32, #tpu.memory_space<vmem>>, vector<1024x128xf32>
      %get3A_622 = arith.constant 0 : index
      %get3A_623 = arith.constant 16 : index
      %get3A_624 = vector.load %arg2[%get3A_622, %get3A_623] : memref<1024x20xf32, #tpu.memory_space<vmem>>, vector<1024x1xf32>
      %sub3A_625 = arith.constant 1.000000e+00 : f32
      %sub3A_626 = vector.broadcast %sub3A_625 : f32 to vector<1024x1xf32>
      %sub3A_627 = arith.subf %sub3A_626, %get3A_624 : vector<1024x1xf32>
      %mul3A_628 = vector.broadcast %sub3A_627 : vector<1024x1xf32> to vector<1024x128xf32>
      %mul3A_629 = arith.mulf %convert_element_type3A_17, %mul3A_628 : vector<1024x128xf32>
      %sub3A_630 = arith.constant 1.000000e+00 : f32
      %sub3A_631 = vector.broadcast %sub3A_630 : f32 to vector<1024x128xf32>
      %sub3A_632 = arith.subf %sub3A_631, %convert_element_type3A_17 : vector<1024x128xf32>
      %mul3A_633 = vector.broadcast %get3A_624 : vector<1024x1xf32> to vector<1024x128xf32>
      %mul3A_634 = arith.mulf %sub3A_632, %mul3A_633 : vector<1024x128xf32>
      %add3A_635 = arith.addf %mul3A_629, %mul3A_634 : vector<1024x128xf32>
      %mul3A_636 = arith.mulf %get3A_621, %add3A_635 : vector<1024x128xf32>
      %mul3A_637 = arith.mulf %mul3A_636, %mul3A_636 : vector<1024x128xf32>
      %reduce_sum3A_638 = arith.constant dense<0.000000e+00> : vector<1024xf32>
      %reduce_sum3A_639 = vector.multi_reduction <add>, %mul3A_637, %reduce_sum3A_638 [1] : vector<1024x128xf32> to vector<1024xf32>
      %broadcast_in_dim3A_640 = vector.shape_cast %reduce_sum3A_639 : vector<1024xf32> to vector<1024x1xf32>
      %sqrt3A_641 = math.sqrt %broadcast_in_dim3A_640 : vector<1024x1xf32>
      %gt3A_642 = arith.constant 1.000000e+00 : f32
      %gt3A_643 = vector.broadcast %gt3A_642 : f32 to vector<1024x1xf32>
      %gt3A_644 = arith.cmpf ogt, %sqrt3A_641, %gt3A_643 : vector<1024x1xf32>
      %add3A_645 = arith.constant 1.000000e-07 : f32
      %add3A_646 = vector.broadcast %add3A_645 : f32 to vector<1024x1xf32>
      %add3A_647 = arith.addf %sqrt3A_641, %add3A_646 : vector<1024x1xf32>
      %div3A_648 = arith.constant 1.000000e+00 : f32
      %div3A_649 = vector.broadcast %div3A_648 : f32 to vector<1024x1xf32>
      %div3A_650 = arith.divf %div3A_649, %add3A_647 : vector<1024x1xf32>
      %jit3A_651 = arith.constant 1.000000e+00 : f32
      %broadcast_in_dim3A_652 = vector.broadcast %jit3A_651 : f32 to vector<1024x1xf32>
      %select_n3A_653 = arith.select %gt3A_644, %div3A_650, %broadcast_in_dim3A_652 : vector<1024x1xi1>, vector<1024x1xf32>
      %mul3A_654 = vector.broadcast %select_n3A_653 : vector<1024x1xf32> to vector<1024x128xf32>
      %mul3A_655 = arith.mulf %mul3A_636, %mul3A_654 : vector<1024x128xf32>
      %add3A_656 = arith.addf %add3A_618, %mul3A_655 : vector<1024x128xf32>
      %get3A_657 = arith.constant 17408 : index
      %get3A_658 = arith.constant 0 : index
      %get3A_659 = vector.load %arg1[%get3A_657, %get3A_658] : memref<20480x128xf32, #tpu.memory_space<vmem>>, vector<1024x128xf32>
      %get3A_660 = arith.constant 0 : index
      %get3A_661 = arith.constant 17 : index
      %get3A_662 = vector.load %arg2[%get3A_660, %get3A_661] : memref<1024x20xf32, #tpu.memory_space<vmem>>, vector<1024x1xf32>
      %sub3A_663 = arith.constant 1.000000e+00 : f32
      %sub3A_664 = vector.broadcast %sub3A_663 : f32 to vector<1024x1xf32>
      %sub3A_665 = arith.subf %sub3A_664, %get3A_662 : vector<1024x1xf32>
      %mul3A_666 = vector.broadcast %sub3A_665 : vector<1024x1xf32> to vector<1024x128xf32>
      %mul3A_667 = arith.mulf %convert_element_type3A_17, %mul3A_666 : vector<1024x128xf32>
      %sub3A_668 = arith.constant 1.000000e+00 : f32
      %sub3A_669 = vector.broadcast %sub3A_668 : f32 to vector<1024x128xf32>
      %sub3A_670 = arith.subf %sub3A_669, %convert_element_type3A_17 : vector<1024x128xf32>
      %mul3A_671 = vector.broadcast %get3A_662 : vector<1024x1xf32> to vector<1024x128xf32>
      %mul3A_672 = arith.mulf %sub3A_670, %mul3A_671 : vector<1024x128xf32>
      %add3A_673 = arith.addf %mul3A_667, %mul3A_672 : vector<1024x128xf32>
      %mul3A_674 = arith.mulf %get3A_659, %add3A_673 : vector<1024x128xf32>
      %mul3A_675 = arith.mulf %mul3A_674, %mul3A_674 : vector<1024x128xf32>
      %reduce_sum3A_676 = arith.constant dense<0.000000e+00> : vector<1024xf32>
      %reduce_sum3A_677 = vector.multi_reduction <add>, %mul3A_675, %reduce_sum3A_676 [1] : vector<1024x128xf32> to vector<1024xf32>
      %broadcast_in_dim3A_678 = vector.shape_cast %reduce_sum3A_677 : vector<1024xf32> to vector<1024x1xf32>
      %sqrt3A_679 = math.sqrt %broadcast_in_dim3A_678 : vector<1024x1xf32>
      %gt3A_680 = arith.constant 1.000000e+00 : f32
      %gt3A_681 = vector.broadcast %gt3A_680 : f32 to vector<1024x1xf32>
      %gt3A_682 = arith.cmpf ogt, %sqrt3A_679, %gt3A_681 : vector<1024x1xf32>
      %add3A_683 = arith.constant 1.000000e-07 : f32
      %add3A_684 = vector.broadcast %add3A_683 : f32 to vector<1024x1xf32>
      %add3A_685 = arith.addf %sqrt3A_679, %add3A_684 : vector<1024x1xf32>
      %div3A_686 = arith.constant 1.000000e+00 : f32
      %div3A_687 = vector.broadcast %div3A_686 : f32 to vector<1024x1xf32>
      %div3A_688 = arith.divf %div3A_687, %add3A_685 : vector<1024x1xf32>
      %jit3A_689 = arith.constant 1.000000e+00 : f32
      %broadcast_in_dim3A_690 = vector.broadcast %jit3A_689 : f32 to vector<1024x1xf32>
      %select_n3A_691 = arith.select %gt3A_682, %div3A_688, %broadcast_in_dim3A_690 : vector<1024x1xi1>, vector<1024x1xf32>
      %mul3A_692 = vector.broadcast %select_n3A_691 : vector<1024x1xf32> to vector<1024x128xf32>
      %mul3A_693 = arith.mulf %mul3A_674, %mul3A_692 : vector<1024x128xf32>
      %add3A_694 = arith.addf %add3A_656, %mul3A_693 : vector<1024x128xf32>
      %get3A_695 = arith.constant 18432 : index
      %get3A_696 = arith.constant 0 : index
      %get3A_697 = vector.load %arg1[%get3A_695, %get3A_696] : memref<20480x128xf32, #tpu.memory_space<vmem>>, vector<1024x128xf32>
      %get3A_698 = arith.constant 0 : index
      %get3A_699 = arith.constant 18 : index
      %get3A_700 = vector.load %arg2[%get3A_698, %get3A_699] : memref<1024x20xf32, #tpu.memory_space<vmem>>, vector<1024x1xf32>
      %sub3A_701 = arith.constant 1.000000e+00 : f32
      %sub3A_702 = vector.broadcast %sub3A_701 : f32 to vector<1024x1xf32>
      %sub3A_703 = arith.subf %sub3A_702, %get3A_700 : vector<1024x1xf32>
      %mul3A_704 = vector.broadcast %sub3A_703 : vector<1024x1xf32> to vector<1024x128xf32>
      %mul3A_705 = arith.mulf %convert_element_type3A_17, %mul3A_704 : vector<1024x128xf32>
      %sub3A_706 = arith.constant 1.000000e+00 : f32
      %sub3A_707 = vector.broadcast %sub3A_706 : f32 to vector<1024x128xf32>
      %sub3A_708 = arith.subf %sub3A_707, %convert_element_type3A_17 : vector<1024x128xf32>
      %mul3A_709 = vector.broadcast %get3A_700 : vector<1024x1xf32> to vector<1024x128xf32>
      %mul3A_710 = arith.mulf %sub3A_708, %mul3A_709 : vector<1024x128xf32>
      %add3A_711 = arith.addf %mul3A_705, %mul3A_710 : vector<1024x128xf32>
      %mul3A_712 = arith.mulf %get3A_697, %add3A_711 : vector<1024x128xf32>
      %mul3A_713 = arith.mulf %mul3A_712, %mul3A_712 : vector<1024x128xf32>
      %reduce_sum3A_714 = arith.constant dense<0.000000e+00> : vector<1024xf32>
      %reduce_sum3A_715 = vector.multi_reduction <add>, %mul3A_713, %reduce_sum3A_714 [1] : vector<1024x128xf32> to vector<1024xf32>
      %broadcast_in_dim3A_716 = vector.shape_cast %reduce_sum3A_715 : vector<1024xf32> to vector<1024x1xf32>
      %sqrt3A_717 = math.sqrt %broadcast_in_dim3A_716 : vector<1024x1xf32>
      %gt3A_718 = arith.constant 1.000000e+00 : f32
      %gt3A_719 = vector.broadcast %gt3A_718 : f32 to vector<1024x1xf32>
      %gt3A_720 = arith.cmpf ogt, %sqrt3A_717, %gt3A_719 : vector<1024x1xf32>
      %add3A_721 = arith.constant 1.000000e-07 : f32
      %add3A_722 = vector.broadcast %add3A_721 : f32 to vector<1024x1xf32>
      %add3A_723 = arith.addf %sqrt3A_717, %add3A_722 : vector<1024x1xf32>
      %div3A_724 = arith.constant 1.000000e+00 : f32
      %div3A_725 = vector.broadcast %div3A_724 : f32 to vector<1024x1xf32>
      %div3A_726 = arith.divf %div3A_725, %add3A_723 : vector<1024x1xf32>
      %jit3A_727 = arith.constant 1.000000e+00 : f32
      %broadcast_in_dim3A_728 = vector.broadcast %jit3A_727 : f32 to vector<1024x1xf32>
      %select_n3A_729 = arith.select %gt3A_720, %div3A_726, %broadcast_in_dim3A_728 : vector<1024x1xi1>, vector<1024x1xf32>
      %mul3A_730 = vector.broadcast %select_n3A_729 : vector<1024x1xf32> to vector<1024x128xf32>
      %mul3A_731 = arith.mulf %mul3A_712, %mul3A_730 : vector<1024x128xf32>
      %add3A_732 = arith.addf %add3A_694, %mul3A_731 : vector<1024x128xf32>
      %get3A_733 = arith.constant 19456 : index
      %get3A_734 = arith.constant 0 : index
      %get3A_735 = vector.load %arg1[%get3A_733, %get3A_734] : memref<20480x128xf32, #tpu.memory_space<vmem>>, vector<1024x128xf32>
      %get3A_736 = arith.constant 0 : index
      %get3A_737 = arith.constant 19 : index
      %get3A_738 = vector.load %arg2[%get3A_736, %get3A_737] : memref<1024x20xf32, #tpu.memory_space<vmem>>, vector<1024x1xf32>
      %sub3A_739 = arith.constant 1.000000e+00 : f32
      %sub3A_740 = vector.broadcast %sub3A_739 : f32 to vector<1024x1xf32>
      %sub3A_741 = arith.subf %sub3A_740, %get3A_738 : vector<1024x1xf32>
      %mul3A_742 = vector.broadcast %sub3A_741 : vector<1024x1xf32> to vector<1024x128xf32>
      %mul3A_743 = arith.mulf %convert_element_type3A_17, %mul3A_742 : vector<1024x128xf32>
      %sub3A_744 = arith.constant 1.000000e+00 : f32
      %sub3A_745 = vector.broadcast %sub3A_744 : f32 to vector<1024x128xf32>
      %sub3A_746 = arith.subf %sub3A_745, %convert_element_type3A_17 : vector<1024x128xf32>
      %mul3A_747 = vector.broadcast %get3A_738 : vector<1024x1xf32> to vector<1024x128xf32>
      %mul3A_748 = arith.mulf %sub3A_746, %mul3A_747 : vector<1024x128xf32>
      %add3A_749 = arith.addf %mul3A_743, %mul3A_748 : vector<1024x128xf32>
      %mul3A_750 = arith.mulf %get3A_735, %add3A_749 : vector<1024x128xf32>
      %mul3A_751 = arith.mulf %mul3A_750, %mul3A_750 : vector<1024x128xf32>
      %reduce_sum3A_752 = arith.constant dense<0.000000e+00> : vector<1024xf32>
      %reduce_sum3A_753 = vector.multi_reduction <add>, %mul3A_751, %reduce_sum3A_752 [1] : vector<1024x128xf32> to vector<1024xf32>
      %broadcast_in_dim3A_754 = vector.shape_cast %reduce_sum3A_753 : vector<1024xf32> to vector<1024x1xf32>
      %sqrt3A_755 = math.sqrt %broadcast_in_dim3A_754 : vector<1024x1xf32>
      %gt3A_756 = arith.constant 1.000000e+00 : f32
      %gt3A_757 = vector.broadcast %gt3A_756 : f32 to vector<1024x1xf32>
      %gt3A_758 = arith.cmpf ogt, %sqrt3A_755, %gt3A_757 : vector<1024x1xf32>
      %add3A_759 = arith.constant 1.000000e-07 : f32
      %add3A_760 = vector.broadcast %add3A_759 : f32 to vector<1024x1xf32>
      %add3A_761 = arith.addf %sqrt3A_755, %add3A_760 : vector<1024x1xf32>
      %div3A_762 = arith.constant 1.000000e+00 : f32
      %div3A_763 = vector.broadcast %div3A_762 : f32 to vector<1024x1xf32>
      %div3A_764 = arith.divf %div3A_763, %add3A_761 : vector<1024x1xf32>
      %jit3A_765 = arith.constant 1.000000e+00 : f32
      %broadcast_in_dim3A_766 = vector.broadcast %jit3A_765 : f32 to vector<1024x1xf32>
      %select_n3A_767 = arith.select %gt3A_758, %div3A_764, %broadcast_in_dim3A_766 : vector<1024x1xi1>, vector<1024x1xf32>
      %mul3A_768 = vector.broadcast %select_n3A_767 : vector<1024x1xf32> to vector<1024x128xf32>
      %mul3A_769 = arith.mulf %mul3A_750, %mul3A_768 : vector<1024x128xf32>
      %add3A_770 = arith.addf %add3A_732, %mul3A_769 : vector<1024x128xf32>
      %slice3A = vector.extract_strided_slice %add3A_770 {offsets = [0, 0], sizes = [1024, 64], strides = [1, 1]} : vector<1024x128xf32> to vector<1024x64xf32>
      %slice3A_771 = vector.extract_strided_slice %add3A_770 {offsets = [0, 64], sizes = [1024, 64], strides = [1, 1]} : vector<1024x128xf32> to vector<1024x64xf32>
      %add3A_772 = arith.addf %slice3A, %slice3A_771 : vector<1024x64xf32>
      %mul3A_773 = arith.constant 5.000000e-02 : f32
      %mul3A_774 = vector.broadcast %mul3A_773 : f32 to vector<1024x64xf32>
      %mul3A_775 = arith.mulf %add3A_772, %mul3A_774 : vector<1024x64xf32>
      %swap3A_776 = arith.constant 0 : index
      %swap3A_777 = arith.constant 0 : index
      %swap3A_778 = vector.load %arg6[%swap3A_776, %swap3A_777] : memref<1024x64xf32, #tpu.memory_space<vmem>>, vector<1024x64xf32>
      tpu.vector_store %arg6[%swap3A_776, %swap3A_777], %mul3A_775 {strides = array<i32>} : memref<1024x64xf32, #tpu.memory_space<vmem>>, vector<1024x64xf32>,
    } else {
    }
    %get3A = arith.constant 0 : index
    %get3A_2 = arith.constant 0 : index
    %get3A_3 = vector.load %arg4[%get3A, %get3A_2] : memref<1x2048xf32, #tpu.memory_space<vmem>>, vector<1x2048xf32>
    %transpose3A = tpu.transpose %get3A_3, [1, 0] : vector<1x2048xf32> -> vector<2048x1xf32>
    %get3A_4 = arith.constant 0 : index
    %get3A_5 = arith.constant 0 : index
    %get3A_6 = vector.load %arg3[%get3A_4, %get3A_5] : memref<64x2048xf32, #tpu.memory_space<vmem>>, vector<64x2048xf32>
    %get3A_7 = arith.constant 0 : index
    %get3A_8 = arith.constant 0 : index
    %get3A_9 = vector.load %arg6[%get3A_7, %get3A_8] : memref<1024x64xf32, #tpu.memory_space<vmem>>, vector<1024x64xf32>
    %dot_general3A = arith.constant dense<0.000000e+00> : vector<2048x1024xf32>
    %dot_general3A_10 = tpu.matmul %get3A_6, %get3A_9, %dot_general3A {dimension_numbers = #tpu.dot_dimension_numbers<[0], [1], [1], [0], [0, 1, 1, 0], [], []>, transpose_lhs_hint = false} : vector<64x2048xf32>, vector<1024x64xf32>, vector<2048x1024xf32> -> vector<2048x1024xf32>
    %add3A = vector.broadcast %transpose3A : vector<2048x1xf32> to vector<2048x1024xf32>
    %add3A_11 = arith.addf %dot_general3A_10, %add3A : vector<2048x1024xf32>
    %swap3A = arith.constant 0 : index
    %swap3A_12 = arith.constant 0 : index
    %swap3A_13 = vector.load %arg5[%swap3A, %swap3A_12] : memref<2048x1024xf32, #tpu.memory_space<vmem>>, vector<2048x1024xf32>
    tpu.vector_store %arg5[%swap3A, %swap3A_12], %add3A_11 {strides = array<i32>} : memref<2048x1024xf32, #tpu.memory_space<vmem>>, vector<2048x1024xf32>,
    return
  }
  func.func @transform_0(%arg0: i32) -> (i32, i32) {
    %c0_i32 = arith.constant 0 : i32
    %c0_i32_0 = arith.constant 0 : i32
    %c0_i32_1 = arith.constant 0 : i32
    return %c0_i32, %c0_i32_0 : i32, i32
  }
  func.func @transform_1(%arg0: i32) -> (i32, i32) {
    %c0_i32 = arith.constant 0 : i32
    %c0_i32_0 = arith.constant 0 : i32
    %c0_i32_1 = arith.constant 0 : i32
    return %c0_i32, %c0_i32_0 : i32, i32
  }
  func.func @transform_2(%arg0: i32) -> (i32, i32) {
    %c0_i32 = arith.constant 0 : i32
    %c0_i32_0 = arith.constant 0 : i32
    return %c0_i32, %arg0 : i32, i32
  }
  func.func @transform_3(%arg0: i32) -> (i32, i32) {
    %c0_i32 = arith.constant 0 : i32
    %c0_i32_0 = arith.constant 0 : i32
    return %c0_i32, %arg0 : i32, i32
  }
  func.func @transform_4(%arg0: i32) -> (i32, i32) {
    %c0_i32 = arith.constant 0 : i32
    %c0_i32_0 = arith.constant 0 : i32
    return %arg0, %c0_i32 : i32, i32
  }
}

</mosaic_0001>

<sc_bundles>
// kernel: kernel.4.cloned.1.call-start
scs
__scs_entry_jumppad:
0x0: {  	(pc) =	sbr.rel $0x88, $3  }
0x1: {  	(tag) =	ssettag $0x0;
	lr =	simm.s32 $0x1  }
0x2: {  	[smem:$0x3F9D] =	sst lr;
	_ =	strace $0xD0000000  }
0x3: {  	_ = 	snop  }
0x4: {  	_ = 	snop  }
0x5: {  	_ = 	snop  }
0x6: {  	_ = 	snop  }
0x7: {  	_ = 	snop  }
__scs_overlays_trampoline_lowered:
0x8: {  	[smem:$0x3FAC] =	sst s0  }
0x9: {  	[smem:$0x3FAD] =	sst s1  }
0xa: {  	[smem:$0x3FAE] =	sst s2  }
0xb: {  	[smem:$0x3FAF] =	sst s3  }
0xc: {  	[smem:$0x3FB0] =	sst s4  }
0xd: {  	[smem:$0x3FB1] =	sst s5  }
0xe: {  	[smem:$0x3FB2] =	sst s6  }
0xf: {  	[smem:$0x3FB3] =	sst s7  }
0x10: {  	[smem:$0x3FB4] =	sst s8  }
0x11: {  	[smem:$0x3FB5] =	sst s9;
	s0 =	simm.s32 @!p0 $0x0  }
0x12: {  	s1 =	sld [smem:$0x3F9B];
	s0 =	simm.s32 @p0 $0x1  }
0x13: {  	[smem:$0x3FB6] =	sst s0;
	s0 =	simm.s32 @!p1 $0x0  }
0x14: {  	s2 =	sld [smem:$0x3F9A];
	s0 =	simm.s32 @p1 $0x1  }
0x15: {  	[smem:$0x3FB7] =	sst s0;
	s0 =	simm.s32 @!p2 $0x0  }
0x16: {  	s3 =	sld [smem:$0x3FDB];
	s0 =	simm.s32 @p2 $0x1  }
0x17: {  	s4 =	simm.s32 $0x1BF5;
	[smem:$0x3FB9] =	sst s0  }
0x18: {  	s0 =	sld [smem:$0x3F9C];
	_ =	swait.ge [sflag:s4], $0x0  }
0x19: {  	s7 =	sld [smem:$0x3F9D]  }
0x1a: {  	s8 =	sadd.s32 $0xFFFFE003, lr  }
0x1b: {  	s9 =	sadd.s32 $0xFFFFFEF7, lr;
	s5 =	simm.s32 $0xFFFFFFFF;
	p2 =	slt.u32 s8, $0xFFFFF086  }
0x1c: {  	p1 =	slt.u32 s9, $0xF7A;
	s5 =	simm.s32 @!p2 $0x0  }
0x1d: {  	s5 =	simm.s32 @p1 $0x1;
	p0 =	seq.s32 s7, s2  }
0x1e: {  	s7 =	smul.u32 @!p0 $0xF7A, s2;
	p2 =	seq.s32 @!p0 s5, $0x0  }
0x1f: {  	s9 =	smul.u32 $0xF7A, s1;
	s8 =	simm.s32 @!p0 $0x1BF5;
	p2 =	por !p2, p0  }
0x20: {  	[sflag:s8] =	ssyncset.s32 @!p0 $0xFFFFF086;
	s6 =	sadd.s32 @!p0 s3, s7;
	s7 =	simm.s32 @!p0 $0x108  }
0x21: {  	s3 =	sadd.s32 s3, s9;
	s6 =	sadd.s32 @!p0 $0x88, s6;
	s7 =	simm.s32 @p2 $0x1082  }
0x22: {  	[simem:s7], [sflag:s8] =	dma.local @!p0 [hbm:s6], $0xF7A  }
0x23: {  	s9 =	sor.u32 $0xD0000000, s2;
	s6 =	simm.s32 $0x108;
	_ =	swait.ge @!p0 [sflag:s8], $0x0  }
0x24: {  	s3 =	sadd.s32 $0x88, s3;
	s6 =	simm.s32 @!p1 $0x1082;
	[sflag:s4] =	ssyncset.s32 $0xFFFFF086  }
0x25: {  	[simem:s6], [sflag:s4] =	dma.local [hbm:s3], $0xF7A  }
0x26: {  	[smem:$0x3F9D] =	sst s1;
	(tag) =	ssettag s2;
	_ =	strace s9  }
0x27: {  	s1 =	sld [smem:$0x3FAD]  }
0x28: {  	s2 =	sld [smem:$0x3FAE]  }
0x29: {  	s4 =	sld [smem:$0x3FB0]  }
0x2a: {  	p0 =	seq.s32 s5, $0x0;
	s5 =	sld [smem:$0x3FB1]  }
0x2b: {  	s6 =	sld [smem:$0x3FB2]  }
0x2c: {  	s7 =	sld [smem:$0x3FB3]  }
0x2d: {  	s3 =	simm.s32 $0x108;
	s8 =	sld [smem:$0x3FB4]  }
0x2e: {  	s3 =	simm.s32 @!p0 $0x1082;
	s9 =	sld [smem:$0x3FB5]  }
0x2f: {  	lr =	sadd.s32 s0, s3;
	s0 =	sld [smem:$0x3FAC]  }
0x30: {  	s3 =	sld [smem:$0x3FAF]  }
0x31: {  	[smem:$0x3FB8] =	sst s10  }
0x32: {  	s10 =	sld [smem:$0x3FB6];
	_ =	sdelay $0x3  }
0x33: {  	p0 =	seq.s32 s10, $0x1;
	s10 =	sld [smem:$0x3FB8];
	_ =	sdelay $0x3  }
0x34: {  	[smem:$0x3FB8] =	sst s10  }
0x35: {  	s10 =	sld [smem:$0x3FB7];
	_ =	sdelay $0x3  }
0x36: {  	p1 =	seq.s32 s10, $0x1;
	s10 =	sld [smem:$0x3FB8];
	_ =	sdelay $0x3  }
0x37: {  	[smem:$0x3FB8] =	sst s10  }
0x38: {  	s10 =	sld [smem:$0x3FB9]  }
0x39: {  	_ = 	snop;
	(pc) =	sbr.ind lr, $3  }
0x3a: {  	_ = 	snop  }
0x3b: {  	_ = 	snop  }
0x3c: {  	p2 =	seq.s32 s10, $0x1;
	s10 =	sld [smem:$0x3FB8]  }
0x3d: {  	_ =	shalt  }
0x3e: {  	_ =	shalt  }
0x3f: {  	_ =	shalt  }
0x40: {  	_ =	shalt  }
0x41: {  	_ =	shalt  }
0x42: {  	_ =	shalt  }
0x43: {  	_ =	shalt  }
0x44: {  	_ =	shalt  }
0x45: {  	_ =	shalt  }
0x46: {  	_ =	shalt  }
0x47: {  	_ =	shalt  }
0x48: {  	_ =	shalt  }
0x49: {  	_ =	shalt  }
0x4a: {  	_ =	shalt  }
0x4b: {  	_ =	shalt  }
0x4c: {  	_ =	shalt  }
0x4d: {  	_ =	shalt  }
0x4e: {  	_ =	shalt  }
0x4f: {  	_ =	shalt  }
0x50: {  	_ =	shalt  }
0x51: {  	_ =	shalt  }
0x52: {  	_ =	shalt  }
0x53: {  	_ =	shalt  }
0x54: {  	_ =	shalt  }
0x55: {  	_ =	shalt  }
0x56: {  	_ =	shalt  }
0x57: {  	_ =	shalt  }
0x58: {  	_ =	shalt  }
0x59: {  	_ =	shalt  }
0x5a: {  	_ =	shalt  }
0x5b: {  	_ =	shalt  }
0x5c: {  	_ =	shalt  }
0x5d: {  	_ =	shalt  }
0x5e: {  	_ =	shalt  }
0x5f: {  	_ =	shalt  }
0x60: {  	_ =	shalt  }
0x61: {  	_ =	shalt  }
0x62: {  	_ =	shalt  }
0x63: {  	_ =	shalt  }
0x64: {  	_ =	shalt  }
0x65: {  	_ =	shalt  }
0x66: {  	_ =	shalt  }
0x67: {  	_ =	shalt  }
0x68: {  	_ =	shalt  }
0x69: {  	_ =	shalt  }
0x6a: {  	_ =	shalt  }
0x6b: {  	_ =	shalt  }
0x6c: {  	_ =	shalt  }
0x6d: {  	_ =	shalt  }
0x6e: {  	_ =	shalt  }
0x6f: {  	_ =	shalt  }
0x70: {  	_ =	shalt  }
0x71: {  	_ =	shalt  }
0x72: {  	_ =	shalt  }
0x73: {  	_ =	shalt  }
0x74: {  	_ =	shalt  }
0x75: {  	_ =	shalt  }
0x76: {  	_ =	shalt  }
0x77: {  	_ =	shalt  }
0x78: {  	_ =	shalt  }
0x79: {  	_ =	shalt  }
0x7a: {  	_ =	shalt  }
0x7b: {  	_ =	shalt  }
0x7c: {  	_ =	shalt  }
0x7d: {  	_ =	shalt  }
0x7e: {  	_ =	shalt  }
0x7f: {  	_ =	shalt  }
0x80: {  	_ =	shalt  }
0x81: {  	_ =	shalt  }
0x82: {  	_ =	shalt  }
0x83: {  	_ =	shalt  }
0x84: {  	_ =	shalt  }
0x85: {  	_ =	shalt  }
0x86: {  	_ =	shalt  }
0x87: {  	_ =	shalt  }
.Lfunc_end0:
.L_simem_size_0:
called_computation_lowered:
.L_overlay_start_0:
0x88: {  	s2 =	sld [smem:$0x3FD9]  }
0x89: {  	s3 =	sld [smem:$0x3FFE];
	_ =	sdelay $0x1  }
0x8a: {  	s1 =	srdreg.scid  }
0x8b: {  	s0 =	sand.u32 $0x1, s1  }
0x8c: {  	s17 =	sshll.u32 s0, $0xA;
	s2 =	sadd.s32 s3, s2  }
0x8d: {  	s2 =	sadd.s32 s2, s17  }
0x8e: {  	[smem:$0x3FC4] =	sst s2  }
0x8f: {  	_ = 	snop  }
0x90: {  	s2 =	sld [smem:$0x3FD0];
	(tm) =	ssettm $0x1  }
0x91: {  	s18 =	sld [smem:$0x3FFB];
	_ =	sdelay $0x3  }
0x92: {  	_ =	strace s18  }
0x93: {  	s3 =	sld [smem:$0x3FFC];
	_ =	sdelay $0x3  }
0x94: {  	_ =	strace s3  }
0x95: {  	s3 =	sld [smem:$0x3FFD];
	_ =	sdelay $0x3  }
0x96: {  	_ =	strace s3  }
0x97: {  	_ =	strace $0x8FFFFFFF  }
0x98: {  	s19 =	sld [smem:$0x3FDB];
	_ =	sdelay $0x1  }
0x99: {  	s4 =	simm.s32 $_scs_section_size  }
0x9a: {  	s5 =	simm.s32 $_size__tile_overlayer_lowered;
	s6 =	simm.s32 $_tile_overlayer_lowered  }
0x9b: {  	s22 =	simm.s32 $0x1BFF;
	s21 =	sshll.u32 s6, $0x1;
	s3 =	sadd.s32 s4, s19  }
0x9c: {  	s7 =	simm.s32 $0x0;
	s20 =	sshll.u32 s5, $0x1;
	s5 =	sadd.s32 s21, s3  }
0x9d: {  	[timem:s7], [sflag:s22] =	dma.local [hbm:s5], s20  }
0x9e: {  	_ =	swait.ge [sflag:s22], s20  }
0x9f: {  	s4 =	ssub.s32 $0x0, s20;
	[sflag:s22] =	ssyncset.done $0x0  }
0xa0: {  	[sflag:s22] =	ssyncadd.s32 s4;
	_ =	sdelay $0x1  }
0xa1: {  	s23 =	simm.s32 $0x1B8B  }
0xa2: {  	_ =	swait.ge [sflag:s23], $0x1  }
0xa3: {  	[sflag:s23] =	ssyncset.done $0x0  }
0xa4: {  	s25 =	simm.s32 $0x1B8E;
	s24 =	sld [smem:$0x3FFE];
	[sflag:s23] =	ssyncadd.s32 $0xFFFFFFFF  }
0xa5: {  	s26 =	simm.s32 $execute0_lowered;
	[smem:$0x3FD2] =	sst s25  }
0xa6: {  	s5 =	sshll.u32 s26, $0x1;
	_ =	strace $0x80000046;
	[dreg:$0x1] =	wrdreg $0xFFFFFFFF  }
0xa7: {  	s28 =	simm.s32 $_size_execute0_lowered;
	s3 =	sadd.s32 s3, s5;
	[dreg:$0x0] =	wrdreg $0x0  }
0xa8: {  	s5 =	sshll.u32 s28, $0x1;
	[dreg:$0x2] =	wrdreg s3  }
0xa9: {  	[dreg:$0x3] =	wrdreg s5  }
0xaa: {  	[dreg:$0x4] =	wrdreg $0xC0  }
0xab: {  	_ =	task [dreg:s7], $0x5FFFF  }
0xac: {  	[dreg:$0x1] =	wrdreg $0xFFFFFFFF  }
0xad: {  	[dreg:$0x0] =	wrdreg $0x60  }
0xae: {  	[dreg:$0x2] =	wrdreg s24  }
0xaf: {  	[dreg:$0x3] =	wrdreg s2  }
0xb0: {  	[dreg:$0x4] =	wrdreg $0x9  }
0xb1: {  	_ =	task.clear_ibuf [dreg:s7], $0x5FFFF;
	_ =	strace $0x90000046  }
0xb2: {  	s29 =	simm.s32 $0x9;
	_ =	strace $0x80000048  }
0xb3: {  	_ =	swait.ge [sflag:s29], $0x1  }
0xb4: {  	[sflag:s29] =	ssyncadd.s32 $0xFFFFFFFF  }
0xb5: {  	_ =	strace $0x90000048  }
0xb6: {  	_ =	sfence  }
0xb7: {  	s30 =	sld [smem:$0x0];
	_ =	sdelay $0x2  }
0xb8: {  	s31 =	sshll.u32 s1, $0xD;
	s1 =	sshrl.u32 s1, $0x2  }
0xb9: {  	s3 =	sand.u32 $0x4000, s31;
	s1 =	sadd.s32 s1, s30  }
0xba: {  	s0 =	sor.u32 s3, s0;
	s1 =	sshll.u32 s1, $0x11  }
0xbb: {  	s0 =	sor.u32 s1, s0  }
0xbc: {  	s0 =	sadd.s32 $0x8F2B, s0  }
0xbd: {  	[sflag:s0] =	ssyncadd.remote.s32 $0x1  }
0xbe: {  	_ =	sfence.sel $0xFFFF  }
0xbf: {  	[dreg:$0x0] =	wrdreg $0xFFFFFFFF;
	(pc) =	sbr.abs _section_cstart, $3  }
0xc0: {  	[dreg:$0x1] =	wrdreg $0xFFFFFFFF  }
0xc1: {  	_ =	task.clear_ibuf [dreg:s7], $0x2FFFF;
	_ =	strace $0x9FFFFFFF  }
0xc2: {  	(tm) =	ssettm $0x7FFFFFFF  }
0xc3: {  	_ =	shalt  }
tec
execute0_lowered:
.L_overlay_start_1:
0x0: {  	(tag) =	ssettag $0x1  }
0x1: {  	s1 =	srdreg.scid;
	s0 =	stileid.u32  }
0x2: {  	s5 =	rddreg [dreg:$0x0];
	s16 =	sand.u32 $0x1, s1;
	s30 =	sshll.u32 s0, $0x1  }
0x3: {  	s17 =	rddreg [dreg:$0x1];
	s18 =	sor.u32 s16, s30  }
0x4: {  	s2 =	simm.s32 $0x0;
	s1 =	rddreg [dreg:$0x2];
	s3 =	sshll.u32 s18, $0x7  }
0x5: {  	[smem:$0x7FF] =	sst s2;
	s3 =	sadd.s32 s3, s5  }
0x6: {  	_ =	strace $0x80000047;
	s4 =	sadd.s32 $0xA00, s3;
	s3 =	simm.s32 $0x2  }
0x7: {  	[tilespmem:s2], [sflag:$0x2] =	stream.linear.gather [hbm4b:s4+s2], $0x280, $0x38;
	[tilespmem:$0x14400] =	vst v63  }
0x8: {  	_ =	swait.ge [sflag:s3], $0x280  }
0x9: {  	s6 =	simm.s32 $0x80;
	[sflag:s3] =	ssyncset.done $0x0  }
0xa: {  	s7 =	simm.s32 $0x400;
	s5 =	sadd.s32 $0x1A00, s5;
	[sflag:s3] =	ssyncadd.s32 $0xFFFFFD80  }
0xb: {  	[tilespmem:s7], [sflag:$0x1] =	stream.indirect.gather [hbm4b:s5+s6], $0x80, s2, s6, $0xb8;
	[tilespmem:$0x14400] =	vst v63  }
0xc: {  	s8 =	simm.s32 $0x4400  }
0xd: {  	[tilespmem:s8], [sflag:$0x1] =	stream.indirect.gather [hbm4b:s5+s6], $0x80, s6, s6, $0xb8;
	[tilespmem:$0x14400] =	vst v63  }
0xe: {  	s9 =	simm.s32 $0x100;
	s10 =	simm.s32 $0x8400  }
0xf: {  	[tilespmem:s10], [sflag:$0x1] =	stream.indirect.gather [hbm4b:s5+s6], $0x80, s9, s6, $0xb8;
	[tilespmem:$0x14400] =	vst v63  }
0x10: {  	s11 =	simm.s32 $0x180;
	s12 =	simm.s32 $0xC400  }
0x11: {  	[tilespmem:s12], [sflag:$0x1] =	stream.indirect.gather [hbm4b:s5+s6], $0x80, s11, s6, $0xb8;
	[tilespmem:$0x14400] =	vst v63  }
0x12: {  	s13 =	simm.s32 $0x200;
	s14 =	simm.s32 $0x10400;
	s15 =	simm.s32 $0x1  }
0x13: {  	[tilespmem:s14], [sflag:$0x1] =	stream.indirect.gather [hbm4b:s5+s6], $0x80, s13, s6, $0xb8;
	[tilespmem:$0x14400] =	vst v63  }
0x14: {  	_ =	swait.ge [sflag:s15], $0x4000  }
0x15: {  	[sflag:s15] =	ssyncset.done $0x0  }
0x16: {  	[sflag:s15] =	ssyncadd.s32 $0xFFFFC000  }
0x17: {  	_ =	swait.ge [sflag:s15], $0x4000  }
0x18: {  	[sflag:s15] =	ssyncset.done $0x0  }
0x19: {  	[sflag:s15] =	ssyncadd.s32 $0xFFFFC000  }
0x1a: {  	_ =	swait.ge [sflag:s15], $0x4000  }
0x1b: {  	[sflag:s15] =	ssyncset.done $0x0  }
0x1c: {  	s16 =	ssub.s32 $0x2, s16;
	[sflag:s15] =	ssyncadd.s32 $0xFFFFC000  }
0x1d: {  	s19 =	sshrl.u32 s16, $0x1;
	_ =	swait.ge [sflag:s15], $0x4000  }
0x1e: {  	s19 =	ssub.s32 s16, s19;
	[sflag:s15] =	ssyncset.done $0x0  }
0x1f: {  	s31 =	smax.u32 s19, $0x1;
	[sflag:s15] =	ssyncadd.s32 $0xFFFFC000  }
0x20: {  	s18 =	smul.u32 $0x2800, s18;
	p0 =	sne.s32 s31, $0x1;
	_ =	swait.ge [sflag:s15], $0x4000  }
.Ltmp0:
0x21: {  	[sflag:s15] =	ssyncset.done $0x0;
	(pc) =	sbr.rel @!p0 .LBB2_2-.Ltmp0, $4  }
0x22: {  	s16 =	sadd.s32 s17, s18;
	[sflag:s15] =	ssyncadd.s32 $0xFFFFC000  }
0x23: {  	[hbm4b:s16+s2] =	stream.linear.scatter [tilespmem:s7], [sflag:$0x2], $0x14000, $0x38;
	[tilespmem:$0x14400] =	vst v63  }
0x24: {  	_ =	swait.ge [sflag:s3], $0x14000  }
0x25: {  	s17 =	sadd.s32 $0xFFFFFFFF, s31;
	[sflag:s3] =	ssyncset.done $0x0  }
.LBB2_1:
0x26: {  	p0 =	sne.s32 s17, $0x1;
	s17 =	sadd.s32 $0xFFFFFFFF, s17;
	[sflag:s3] =	ssyncadd.s32 $0xFFFEC000  }
0x27: {  	[tilespmem:s2], [sflag:$0x2] =	stream.linear.gather [hbm4b:s4+s2], $0x280, $0x38;
	[tilespmem:$0x14400] =	vst v63  }
0x28: {  	_ =	swait.ge [sflag:s3], $0x280  }
0x29: {  	[sflag:s3] =	ssyncset.done $0x0  }
0x2a: {  	[sflag:s3] =	ssyncadd.s32 $0xFFFFFD80  }
0x2b: {  	[tilespmem:s7], [sflag:$0x1] =	stream.indirect.gather [hbm4b:s5+s6], $0x80, s2, s6, $0xb8;
	[tilespmem:$0x14400] =	vst v63  }
0x2c: {  	_ = 	snop  }
0x2d: {  	[tilespmem:s8], [sflag:$0x1] =	stream.indirect.gather [hbm4b:s5+s6], $0x80, s6, s6, $0xb8;
	[tilespmem:$0x14400] =	vst v63  }
0x2e: {  	_ = 	snop  }
0x2f: {  	[tilespmem:s10], [sflag:$0x1] =	stream.indirect.gather [hbm4b:s5+s6], $0x80, s9, s6, $0xb8;
	[tilespmem:$0x14400] =	vst v63  }
0x30: {  	_ = 	snop  }
0x31: {  	[tilespmem:s12], [sflag:$0x1] =	stream.indirect.gather [hbm4b:s5+s6], $0x80, s11, s6, $0xb8;
	[tilespmem:$0x14400] =	vst v63  }
0x32: {  	_ = 	snop  }
0x33: {  	[tilespmem:s14], [sflag:$0x1] =	stream.indirect.gather [hbm4b:s5+s6], $0x80, s13, s6, $0xb8;
	[tilespmem:$0x14400] =	vst v63  }
0x34: {  	_ =	swait.ge [sflag:s15], $0x4000  }
0x35: {  	[sflag:s15] =	ssyncset.done $0x0  }
0x36: {  	[sflag:s15] =	ssyncadd.s32 $0xFFFFC000  }
0x37: {  	_ =	swait.ge [sflag:s15], $0x4000  }
0x38: {  	[sflag:s15] =	ssyncset.done $0x0  }
0x39: {  	[sflag:s15] =	ssyncadd.s32 $0xFFFFC000  }
0x3a: {  	_ =	swait.ge [sflag:s15], $0x4000  }
0x3b: {  	[sflag:s15] =	ssyncset.done $0x0  }
0x3c: {  	[sflag:s15] =	ssyncadd.s32 $0xFFFFC000  }
0x3d: {  	_ =	swait.ge [sflag:s15], $0x4000  }
0x3e: {  	[sflag:s15] =	ssyncset.done $0x0  }
0x3f: {  	[sflag:s15] =	ssyncadd.s32 $0xFFFFC000  }
0x40: {  	_ =	swait.ge [sflag:s15], $0x4000  }
.Ltmp1:
0x41: {  	[sflag:s15] =	ssyncset.done $0x0;
	(pc) =	sbr.rel @p0 .LBB2_1-.Ltmp1, $4  }
0x42: {  	[sflag:s15] =	ssyncadd.s32 $0xFFFFC000  }
0x43: {  	[hbm4b:s16+s2] =	stream.linear.scatter [tilespmem:s7], [sflag:$0x2], $0x14000, $0x38;
	[tilespmem:$0x14400] =	vst v63  }
0x44: {  	_ =	swait.ge [sflag:s3], $0x14000  }
0x45: {  	[sflag:s3] =	ssyncset.done $0x0  }
.LBB2_2:
0x46: {  	[sflag:s3] =	ssyncadd.s32 $0xFFFEC000  }
0x47: {  	_ =	sfence.sel $0x180000  }
0x48: {  	[bflag:$0x0] =	sbarrier.arrive $0xFFFF  }
0x49: {  	p0 =	sne.s32 s0, $0x0;
	_ =	strace $0x90000047  }
0x4a: {  	s0 =	sadd.s32 @!p0 $0x100000, s1;
	[bflag:$0x2] =	sbarrier.arrive $0xFFFF  }
0x4b: {  	[sflag:s0] =	ssyncadd.tile.s32 @!p0 $0x1;
	_ =	shalt  }
.Lfunc_end2:
_tile_overlayer_lowered:
.L_overlay_start_2:
0x4c: {  	(tag) =	ssettag $0x2  }
0x4d: {  	s0 =	rddreg [dreg:$0x0];
	s2 =	stileid.u32  }
0x4e: {  	s1 =	rddreg [dreg:$0x1];
	p0 =	sne.s32 s2, $0x0  }
0x4f: {  	s3 =	rddreg [dreg:$0x2];
	[bflag:$0x3] =	sbarrier.arrive $0xFFFF;
	s2 =	simm.s32 @!p0 $0x1C02  }
0x50: {  	[timem:s3], [sflag:s2] =	dma.local @!p0 [hbm:s0], s1  }
0x51: {  	s0 =	simm.s32 @!p0 $0x2  }
0x52: {  	_ =	swait.ge @!p0 [sflag:s0], s1  }
0x53: {  	s1 =	ssub.s32 @!p0 $0x0, s1;
	[sflag:s0] =	ssyncset.done @!p0 $0x0  }
0x54: {  	[sflag:s0] =	ssyncadd.s32 @!p0 s1  }
0x55: {  	[bflag:$0x3] =	sbarrier.arrive $0xFFFF  }
0x56: {  	_ =	shalt  }

</sc_bundles>
